<compile_context>
chip_gen: v7x
topology: tpu7x:2x2x1
jax: 0.10.2.dev20260603
libtpu: 0.0.44.dev20260713+nightly
codegen_flags: <defaults>
</compile_context>

<pallas_src>
import functools

import jax
import jax.numpy as jnp
from jax import lax
from jax.experimental import pallas as pl
from jax.experimental.pallas import tpu as pltpu
from jax.experimental.pallas import tpu_sc as plsc

ALPHA = 0.2
N = 100000
D = 128
EMB = 128
C = 40
B = 16384
S1 = 5
S2 = 10

NC = 2
NS = 16
L = 16
NW = NC * NS

BC1 = 64
CPW1 = 49
NPAD = NW * CPW1 * BC1
R1 = S1 + 1

BC2 = 32
CPW2 = B // (NW * BC2)

_MESH = plsc.VectorSubcoreMesh(
    core_axis_name="c", subcore_axis_name="s", num_cores=NC, num_subcores=NS)


@functools.partial(
    pl.kernel,
    out_type=jax.ShapeDtypeStruct((NPAD, D), jnp.float32),
    mesh=_MESH,
    scratch_types=[
        pltpu.VMEM((BC1 * R1,), jnp.int32),
        pltpu.VMEM((BC1 * R1, D), jnp.float32),
        pltpu.VMEM((BC1, D), jnp.float32),
        pltpu.SemaphoreType.DMA,
    ],
)
def _agg1(feat_hbm, idx_hbm, out_hbm, idx_v, rows_v, acc_v, sem):
    wid = lax.axis_index("s") * NC + lax.axis_index("c")

    def chunk(c, carry):
        base = (c * NW + wid) * BC1
        pltpu.sync_copy(idx_hbm.at[pl.ds(base * R1, BC1 * R1)], idx_v)
        pltpu.async_copy(feat_hbm.at[idx_v], rows_v, sem).wait()

        def node(i, cc):
            def dcol(d, ccc):
                col = pl.ds(d * L, L)
                s = rows_v[R1 * i, col]
                for j in range(1, R1):
                    s = s + rows_v[R1 * i + j, col]
                acc_v[i, col] = s
                return ccc
            return lax.fori_loop(0, D // L, dcol, cc)

        lax.fori_loop(0, BC1, node, 0)
        pltpu.sync_copy(acc_v, out_hbm.at[pl.ds(base, BC1)])
        return carry

    lax.fori_loop(0, CPW1, chunk, 0)


@functools.partial(
    pl.kernel,
    out_type=jax.ShapeDtypeStruct((B, EMB), jnp.float32),
    mesh=_MESH,
    scratch_types=[
        pltpu.VMEM((BC2 * S2,), jnp.int32),
        pltpu.VMEM((BC2 * (S2 + 1),), jnp.int32),
        pltpu.VMEM((BC2 * (S2 + 1), EMB), jnp.float32),
        pltpu.VMEM((BC2, EMB), jnp.float32),
        pltpu.SemaphoreType.DMA,
    ],
)
def _agg2(nodes_hbm, pos_hbm, neigh2f_hbm, h1_hbm, out_hbm,
          pos_v, nidx_v, rows_v, acc_v, sem_a):
    wid = lax.axis_index("s") * NC + lax.axis_index("c")
    SELF0 = BC2 * S2

    def chunk(c, carry):
        nbase = (c * NW + wid) * BC2
        pltpu.sync_copy(nodes_hbm.at[pl.ds(nbase, BC2)],
                        nidx_v.at[pl.ds(SELF0, BC2)])
        pltpu.sync_copy(pos_hbm.at[pl.ds(nbase * S2, BC2 * S2)], pos_v)
        pltpu.async_copy(neigh2f_hbm.at[pos_v],
                         nidx_v.at[pl.ds(0, BC2 * S2)], sem_a).wait()

        pltpu.async_copy(h1_hbm.at[nidx_v], rows_v, sem_a).wait()

        def node(i, cc):
            def dcol(d, ccc):
                col = pl.ds(d * L, L)
                s = rows_v[SELF0 + i, col]
                for j in range(S2):
                    s = s + rows_v[S2 * i + j, col]
                acc_v[i, col] = s
                return ccc
            return lax.fori_loop(0, EMB // L, dcol, cc)

        lax.fori_loop(0, BC2, node, 0)
        pltpu.sync_copy(acc_v, out_hbm.at[pl.ds(nbase, BC2)])
        return carry

    lax.fori_loop(0, CPW2, chunk, 0)


BLK1 = 2048


def _mm1_body(x_ref, w_ref, o_ref):
    y = jnp.dot(x_ref[...], w_ref[...], preferred_element_type=jnp.float32)
    o_ref[...] = jnp.maximum(y, ALPHA * y)


def _mm2_body(x_ref, w2_ref, wc_ref, o_ref):
    y = jnp.dot(x_ref[...], w2_ref[...], preferred_element_type=jnp.float32)
    h = jnp.maximum(y, ALPHA * y)
    o_ref[...] = jnp.dot(h, wc_ref[...], preferred_element_type=jnp.float32)


_tc1 = pl.pallas_call(
    _mm1_body,
    grid=(NPAD // BLK1,),
    in_specs=[
        pl.BlockSpec((BLK1, D), lambda i: (i, 0)),
        pl.BlockSpec((D, EMB), lambda i: (0, 0)),
    ],
    out_specs=pl.BlockSpec((BLK1, EMB), lambda i: (i, 0)),
    out_shape=jax.ShapeDtypeStruct((NPAD, EMB), jnp.float32),
)

_tc2 = pl.pallas_call(
    _mm2_body,
    grid=(B // BLK1,),
    in_specs=[
        pl.BlockSpec((BLK1, EMB), lambda i: (i, 0)),
        pl.BlockSpec((EMB, EMB), lambda i: (0, 0)),
        pl.BlockSpec((EMB, C), lambda i: (0, 0)),
    ],
    out_specs=pl.BlockSpec((BLK1, C), lambda i: (i, 0)),
    out_shape=jax.ShapeDtypeStruct((B, C), jnp.float32),
)


def kernel(nodes, neigh_l1, neigh_l2, features, W1, W2, class_weight):
    idx1 = jnp.concatenate(
        [neigh_l1, jnp.arange(N, dtype=jnp.int32)[:, None]], axis=1)
    idx1 = jnp.pad(idx1.reshape(-1), (0, (NPAD - N) * R1))

    pos = (nodes[:, None] * S2 + jnp.arange(S2, dtype=jnp.int32)[None, :])
    pos = pos.reshape(-1)

    sum1 = _agg1(features, idx1)
    h1 = _tc1(sum1, W1 * (1.0 / R1))
    sum2 = _agg2(nodes, pos, neigh_l2.reshape(-1), h1)
    return _tc2(sum2, W2 * (1.0 / (S2 + 1)), class_weight.T)

# --- scband reference (transcript-rebuilt; emitter-appended) ---
"""Pipeline reference for scband-supervised-graph-sage-16535624090308 (READ-ONLY COPY).

The authoritative reference and input builder live on the scoring server;
editing this copy changes nothing except your own understanding.
"""

import jax, jax.numpy as jnp
import numpy as np

N = 100000      # num_nodes
D = 128         # feature_dim
EMB = 128       # embed_dim
C = 40          # num_classes
B = 16384       # batch of seed nodes
S1 = 5          # num_sample for layer_1 (hardcoded in forward)
S2 = 10         # num_sample for layer_2 (hardcoded in forward)
ALPHA = 0.2


def _xavier(key, shape):
    fan_in, fan_out = shape[1], shape[0]
    std = np.sqrt(2.0 / (fan_in + fan_out))
    return jax.random.normal(key, shape, dtype=jnp.float32) * std


def setup_inputs(seed: int = 0) -> dict:
    key = jax.random.key(seed)
    ks = jax.random.split(key, 7)
    nodes = jax.random.randint(ks[0], (B,), 0, N, dtype=jnp.int32)
    neigh_l1 = jax.random.randint(ks[1], (N, S1), 0, N, dtype=jnp.int32)
    neigh_l2 = jax.random.randint(ks[2], (N, S2), 0, N, dtype=jnp.int32)
    features = jax.random.normal(ks[3], (N, D), dtype=jnp.float32)
    # learned parameters
    W1 = _xavier(ks[4], (EMB, D)).T           # [D, EMB] layer_1 MeanAggregator weight
    W2 = _xavier(ks[5], (EMB, EMB)).T         # [EMB, EMB] layer_2 MeanAggregator weight
    class_weight = _xavier(ks[6], (C, EMB))   # [C, EMB] self.weight
    return {"nodes": nodes, "neigh_l1": neigh_l1, "neigh_l2": neigh_l2,
            "features": features, "W1": W1, "W2": W2, "class_weight": class_weight}


def reference(nodes, neigh_l1, neigh_l2, features, W1, W2, class_weight):
    # Layer 1 (MeanAggregator, gcn=True): mean over sampled neighbors + self,
    # then linear transform + leaky_relu(alpha). Computed for all N nodes
    # (full 1-hop frontier), matching SAGE full-neighborhood evaluation.
    neigh_feats1 = features[neigh_l1]                      # gather [N, S1, D]
    agg1 = (jnp.sum(neigh_feats1, axis=1) + features) / float(S1 + 1)
    h1 = jax.nn.leaky_relu(agg1 @ W1, negative_slope=ALPHA)   # [N, EMB]

    # Layer 2 over the batch of seed nodes
    neigh2 = neigh_l2[nodes]                               # [B, S2]
    neigh_feats2 = h1[neigh2]                              # gather [B, S2, EMB]
    agg2 = (jnp.sum(neigh_feats2, axis=1) + h1[nodes]) / float(S2 + 1)
    h2 = jax.nn.leaky_relu(agg2 @ W2, negative_slope=ALPHA)  # [B, EMB]

    # scores = self.weight.mm(x_2.t()).t()  ==  h2 @ class_weight.T
    scores = h2 @ class_weight.T                           # [B, C]
    return scores

if __name__ == "__main__":
    import jax
    _d = setup_inputs()
    print(jax.jit(kernel)(*tuple(_d.values())))

</pallas_src>

<mosaic_0001>
#map = affine_map<(d0, d1) -> (0, 0)>
#map1 = affine_map<(d0, d1) -> (0)>
module attributes {stable_mosaic.version = 14 : i64} {
  func.func @_agg1(%arg0: i32, %arg1: i32, %arg2: memref<100000x128xf32, #tpu.memory_space<hbm>>, %arg3: memref<602112xi32, #tpu.memory_space<hbm>>, %arg4: memref<100352x128xf32, #tpu.memory_space<hbm>>, %arg5: memref<384xi32, #tpu.memory_space<vmem>>, %arg6: memref<384x128xf32, #tpu.memory_space<vmem>>, %arg7: memref<64x128xf32, #tpu.memory_space<vmem>>, %arg8: memref<!tpu.dma_semaphore, #tpu.memory_space<semaphore_mem>>) attributes {dimension_semantics = [#tpu.dimension_semantics<core_parallel>, #tpu.dimension_semantics<subcore_parallel>], iteration_bounds = array<i64: 2, 16>, scalar_prefetch = 0 : i64, scratch_operands = 4 : i64, tpu.core_type = #tpu.core_type<sc_vector_subcore>, window_params = [{transform_indices = #map}, {transform_indices = #map1}, {transform_indices = #map}]} {
    %mul3A = arith.constant 2 : i32
    %mul3A_0 = arith.muli %arg1, %mul3A : i32
    %add3A = arith.addi %mul3A_0, %arg0 : i32
    %scan3A = arith.constant 0 : i32
    %scan3A_1 = arith.constant 0 : i32
    %scan3A_2 = arith.constant 49 : i32
    %scan3A_3 = arith.addi %scan3A_1, %scan3A_2 : i32
    %scan3A_4 = arith.constant 1 : i32
    scf.for %scan3A_6 = %scan3A_1 to %scan3A_3 step %scan3A_4  : i32 {
      %mul3A_7 = arith.constant 32 : i32
      %mul3A_8 = arith.muli %scan3A_6, %mul3A_7 : i32
      %add3A_9 = arith.addi %mul3A_8, %add3A : i32
      %mul3A_10 = arith.constant 64 : i32
      %mul3A_11 = arith.muli %add3A_9, %mul3A_10 : i32
      %mul3A_12 = arith.constant 6 : i32
      %mul3A_13 = arith.muli %mul3A_11, %mul3A_12 : i32
      "tpu.region"() ({
        %run_scoped3A = tpu.sem_alloc : memref<!tpu.dma_semaphore, #tpu.memory_space<semaphore_mem>>
        %dma_start3A_24 = tpu.memref_slice %arg3[%mul3A_13] : memref<602112xi32, #tpu.memory_space<hbm>> -> memref<384xi32, #tpu.memory_space<hbm>>
        %dma_start3A_25 = tpu.memref_slice %arg3[%mul3A_13] : memref<602112xi32, #tpu.memory_space<hbm>> -> memref<384xi32, #tpu.memory_space<hbm>>
        tpu.enqueue_dma source(%dma_start3A_25 : memref<384xi32, #tpu.memory_space<hbm>>) target(%arg5 : memref<384xi32, #tpu.memory_space<vmem>>) target_semaphore(%run_scoped3A : memref<!tpu.dma_semaphore, #tpu.memory_space<semaphore_mem>>)
        %dma_wait3A_26 = tpu.memref_slice %arg3[%mul3A_13] : memref<602112xi32, #tpu.memory_space<hbm>> -> memref<384xi32, #tpu.memory_space<hbm>>
        %dma_wait3A_27 = tpu.memref_slice %arg3[%mul3A_13] : memref<602112xi32, #tpu.memory_space<hbm>> -> memref<384xi32, #tpu.memory_space<hbm>>
        tpu.wait_dma2 semaphore(%run_scoped3A : memref<!tpu.dma_semaphore, #tpu.memory_space<semaphore_mem>>) src(%dma_wait3A_27 : memref<384xi32, #tpu.memory_space<hbm>>) dst(%arg5 : memref<384xi32, #tpu.memory_space<vmem>>)
        tpu.yield
      }) : () -> ()
      %dma_start3A = arith.constant 0 : i32
      %dma_start3A_14 = arith.constant 0 : i32
      %dma_start3A_15 = tpu.memref_slice %arg2[%dma_start3A, %dma_start3A_14] : memref<100000x128xf32, #tpu.memory_space<hbm>> -> memref<100000x128xf32, #tpu.memory_space<hbm>>
      tpu.enqueue_indirect_dma source(%dma_start3A_15 : memref<100000x128xf32, #tpu.memory_space<hbm>>) target(%arg6 : memref<384x128xf32, #tpu.memory_space<vmem>>) offsets(%arg5 : memref<384xi32, #tpu.memory_space<vmem>>) semaphore(%arg8 : memref<!tpu.dma_semaphore, #tpu.memory_space<semaphore_mem>>)
      %dma_wait3A = arith.constant 0 : i32
      %dma_wait3A_16 = arith.constant 0 : i32
      %dma_wait3A_17 = tpu.memref_slice %arg2[%dma_wait3A, %dma_wait3A_16] : memref<100000x128xf32, #tpu.memory_space<hbm>> -> memref<100000x128xf32, #tpu.memory_space<hbm>>
      tpu.wait_indirect_dma semaphore(%arg8 : memref<!tpu.dma_semaphore, #tpu.memory_space<semaphore_mem>>) src(%dma_wait3A_17 : memref<100000x128xf32, #tpu.memory_space<hbm>>) dst(%arg6 : memref<384x128xf32, #tpu.memory_space<vmem>>)
      %scan3A_18 = arith.constant 0 : i32
      %scan3A_19 = arith.constant 0 : i32
      %scan3A_20 = arith.constant 64 : i32
      %scan3A_21 = arith.addi %scan3A_19, %scan3A_20 : i32
      %scan3A_22 = arith.constant 1 : i32
      scf.for %scan3A_24 = %scan3A_19 to %scan3A_21 step %scan3A_22  : i32 {
        %scan3A_25 = arith.constant 0 : i32
        %scan3A_26 = arith.constant 8 : i32
        %scan3A_27 = arith.addi %scan3A_25, %scan3A_26 : i32
        %scan3A_28 = arith.constant 1 : i32
        scf.for %scan3A_30 = %scan3A_25 to %scan3A_27 step %scan3A_28  : i32 {
          %mul3A_31 = arith.constant 16 : i32
          %mul3A_32 = arith.muli %scan3A_30, %mul3A_31 : i32
          %mul3A_33 = arith.constant 6 : i32
          %mul3A_34 = arith.muli %mul3A_33, %scan3A_24 : i32
          %get3A = arith.index_cast %mul3A_34 : i32 to index
          %get3A_35 = arith.index_cast %mul3A_32 : i32 to index
          %get3A_36 = tpu.vector_load %arg6[%get3A, %get3A_35] {strides = array<i32>} : memref<384x128xf32, #tpu.memory_space<vmem>>, vector<1x16xf32>,
          %get3A_37 = vector.shape_cast %get3A_36 : vector<1x16xf32> to vector<16xf32>
          %mul3A_38 = arith.constant 6 : i32
          %mul3A_39 = arith.muli %mul3A_38, %scan3A_24 : i32
          %add3A_40 = arith.constant 1 : i32
          %add3A_41 = arith.addi %mul3A_39, %add3A_40 : i32
          %get3A_42 = arith.index_cast %add3A_41 : i32 to index
          %get3A_43 = arith.index_cast %mul3A_32 : i32 to index
          %get3A_44 = tpu.vector_load %arg6[%get3A_42, %get3A_43] {strides = array<i32>} : memref<384x128xf32, #tpu.memory_space<vmem>>, vector<1x16xf32>,
          %get3A_45 = vector.shape_cast %get3A_44 : vector<1x16xf32> to vector<16xf32>
          %add3A_46 = arith.addf %get3A_37, %get3A_45 : vector<16xf32>
          %mul3A_47 = arith.constant 6 : i32
          %mul3A_48 = arith.muli %mul3A_47, %scan3A_24 : i32
          %add3A_49 = arith.constant 2 : i32
          %add3A_50 = arith.addi %mul3A_48, %add3A_49 : i32
          %get3A_51 = arith.index_cast %add3A_50 : i32 to index
          %get3A_52 = arith.index_cast %mul3A_32 : i32 to index
          %get3A_53 = tpu.vector_load %arg6[%get3A_51, %get3A_52] {strides = array<i32>} : memref<384x128xf32, #tpu.memory_space<vmem>>, vector<1x16xf32>,
          %get3A_54 = vector.shape_cast %get3A_53 : vector<1x16xf32> to vector<16xf32>
          %add3A_55 = arith.addf %add3A_46, %get3A_54 : vector<16xf32>
          %mul3A_56 = arith.constant 6 : i32
          %mul3A_57 = arith.muli %mul3A_56, %scan3A_24 : i32
          %add3A_58 = arith.constant 3 : i32
          %add3A_59 = arith.addi %mul3A_57, %add3A_58 : i32
          %get3A_60 = arith.index_cast %add3A_59 : i32 to index
          %get3A_61 = arith.index_cast %mul3A_32 : i32 to index
          %get3A_62 = tpu.vector_load %arg6[%get3A_60, %get3A_61] {strides = array<i32>} : memref<384x128xf32, #tpu.memory_space<vmem>>, vector<1x16xf32>,
          %get3A_63 = vector.shape_cast %get3A_62 : vector<1x16xf32> to vector<16xf32>
          %add3A_64 = arith.addf %add3A_55, %get3A_63 : vector<16xf32>
          %mul3A_65 = arith.constant 6 : i32
          %mul3A_66 = arith.muli %mul3A_65, %scan3A_24 : i32
          %add3A_67 = arith.constant 4 : i32
          %add3A_68 = arith.addi %mul3A_66, %add3A_67 : i32
          %get3A_69 = arith.index_cast %add3A_68 : i32 to index
          %get3A_70 = arith.index_cast %mul3A_32 : i32 to index
          %get3A_71 = tpu.vector_load %arg6[%get3A_69, %get3A_70] {strides = array<i32>} : memref<384x128xf32, #tpu.memory_space<vmem>>, vector<1x16xf32>,
          %get3A_72 = vector.shape_cast %get3A_71 : vector<1x16xf32> to vector<16xf32>
          %add3A_73 = arith.addf %add3A_64, %get3A_72 : vector<16xf32>
          %mul3A_74 = arith.constant 6 : i32
          %mul3A_75 = arith.muli %mul3A_74, %scan3A_24 : i32
          %add3A_76 = arith.constant 5 : i32
          %add3A_77 = arith.addi %mul3A_75, %add3A_76 : i32
          %get3A_78 = arith.index_cast %add3A_77 : i32 to index
          %get3A_79 = arith.index_cast %mul3A_32 : i32 to index
          %get3A_80 = tpu.vector_load %arg6[%get3A_78, %get3A_79] {strides = array<i32>} : memref<384x128xf32, #tpu.memory_space<vmem>>, vector<1x16xf32>,
          %get3A_81 = vector.shape_cast %get3A_80 : vector<1x16xf32> to vector<16xf32>
          %add3A_82 = arith.addf %add3A_73, %get3A_81 : vector<16xf32>
          %swap3A = arith.index_cast %scan3A_24 : i32 to index
          %swap3A_83 = arith.index_cast %mul3A_32 : i32 to index
          %swap3A_84 = tpu.vector_load %arg7[%swap3A, %swap3A_83] {strides = array<i32>} : memref<64x128xf32, #tpu.memory_space<vmem>>, vector<1x16xf32>,
          %swap3A_85 = vector.shape_cast %swap3A_84 : vector<1x16xf32> to vector<16xf32>
          %swap3A_86 = vector.shape_cast %add3A_82 : vector<16xf32> to vector<1x16xf32>
          tpu.vector_store %arg7[%swap3A, %swap3A_83], %swap3A_86 {strides = array<i32>} : memref<64x128xf32, #tpu.memory_space<vmem>>, vector<1x16xf32>,
        }
        %scan3A_29 = arith.constant 8 : i32
      }
      %scan3A_23 = arith.constant 64 : i32
      "tpu.region"() ({
        %run_scoped3A = tpu.sem_alloc : memref<!tpu.dma_semaphore, #tpu.memory_space<semaphore_mem>>
        %dma_start3A_24 = arith.constant 0 : i32
        %dma_start3A_25 = tpu.memref_slice %arg4[%mul3A_11, %dma_start3A_24] : memref<100352x128xf32, #tpu.memory_space<hbm>> -> memref<64x128xf32, #tpu.memory_space<hbm>>
        %dma_start3A_26 = arith.constant 0 : i32
        %dma_start3A_27 = tpu.memref_slice %arg4[%mul3A_11, %dma_start3A_26] : memref<100352x128xf32, #tpu.memory_space<hbm>> -> memref<64x128xf32, #tpu.memory_space<hbm>>
        tpu.enqueue_dma source(%arg7 : memref<64x128xf32, #tpu.memory_space<vmem>>) target(%dma_start3A_27 : memref<64x128xf32, #tpu.memory_space<hbm>>) target_semaphore(%run_scoped3A : memref<!tpu.dma_semaphore, #tpu.memory_space<semaphore_mem>>)
        %dma_wait3A_28 = arith.constant 0 : i32
        %dma_wait3A_29 = tpu.memref_slice %arg4[%mul3A_11, %dma_wait3A_28] : memref<100352x128xf32, #tpu.memory_space<hbm>> -> memref<64x128xf32, #tpu.memory_space<hbm>>
        %dma_wait3A_30 = arith.constant 0 : i32
        %dma_wait3A_31 = tpu.memref_slice %arg4[%mul3A_11, %dma_wait3A_30] : memref<100352x128xf32, #tpu.memory_space<hbm>> -> memref<64x128xf32, #tpu.memory_space<hbm>>
        tpu.wait_dma2 semaphore(%run_scoped3A : memref<!tpu.dma_semaphore, #tpu.memory_space<semaphore_mem>>) src(%arg7 : memref<64x128xf32, #tpu.memory_space<vmem>>) dst(%dma_wait3A_31 : memref<64x128xf32, #tpu.memory_space<hbm>>)
        tpu.yield
      }) : () -> ()
    }
    %scan3A_5 = arith.constant 49 : i32
    return
  }
}

#map = affine_map<(d0, d1) -> (0)>
#map1 = affine_map<(d0, d1) -> (0, 0)>
module attributes {stable_mosaic.version = 14 : i64} {
  func.func @_agg2(%arg0: i32, %arg1: i32, %arg2: memref<16384xi32, #tpu.memory_space<hbm>>, %arg3: memref<163840xi32, #tpu.memory_space<hbm>>, %arg4: memref<1000000xi32, #tpu.memory_space<hbm>>, %arg5: memref<100352x128xf32, #tpu.memory_space<hbm>>, %arg6: memref<16384x128xf32, #tpu.memory_space<hbm>>, %arg7: memref<320xi32, #tpu.memory_space<vmem>>, %arg8: memref<352xi32, #tpu.memory_space<vmem>>, %arg9: memref<352x128xf32, #tpu.memory_space<vmem>>, %arg10: memref<32x128xf32, #tpu.memory_space<vmem>>, %arg11: memref<!tpu.dma_semaphore, #tpu.memory_space<semaphore_mem>>) attributes {dimension_semantics = [#tpu.dimension_semantics<core_parallel>, #tpu.dimension_semantics<subcore_parallel>], iteration_bounds = array<i64: 2, 16>, scalar_prefetch = 0 : i64, scratch_operands = 5 : i64, tpu.core_type = #tpu.core_type<sc_vector_subcore>, window_params = [{transform_indices = #map}, {transform_indices = #map}, {transform_indices = #map}, {transform_indices = #map1}, {transform_indices = #map1}]} {
    %mul3A = arith.constant 2 : i32
    %mul3A_0 = arith.muli %arg1, %mul3A : i32
    %add3A = arith.addi %mul3A_0, %arg0 : i32
    %scan3A = arith.constant 0 : i32
    %scan3A_1 = arith.constant 0 : i32
    %scan3A_2 = arith.constant 16 : i32
    %scan3A_3 = arith.addi %scan3A_1, %scan3A_2 : i32
    %scan3A_4 = arith.constant 1 : i32
    scf.for %scan3A_6 = %scan3A_1 to %scan3A_3 step %scan3A_4  : i32 {
      %mul3A_7 = arith.constant 32 : i32
      %mul3A_8 = arith.muli %scan3A_6, %mul3A_7 : i32
      %add3A_9 = arith.addi %mul3A_8, %add3A : i32
      %mul3A_10 = arith.constant 32 : i32
      %mul3A_11 = arith.muli %add3A_9, %mul3A_10 : i32
      "tpu.region"() ({
        %run_scoped3A = tpu.sem_alloc : memref<!tpu.dma_semaphore, #tpu.memory_space<semaphore_mem>>
        %dma_start3A_32 = arith.constant 320 : i32
        %dma_start3A_33 = tpu.memref_slice %arg8[%dma_start3A_32] : memref<352xi32, #tpu.memory_space<vmem>> -> memref<32xi32, #tpu.memory_space<vmem>>
        %dma_start3A_34 = tpu.memref_slice %arg2[%mul3A_11] : memref<16384xi32, #tpu.memory_space<hbm>> -> memref<32xi32, #tpu.memory_space<hbm>>
        %dma_start3A_35 = arith.constant 320 : i32
        %dma_start3A_36 = tpu.memref_slice %arg8[%dma_start3A_35] : memref<352xi32, #tpu.memory_space<vmem>> -> memref<32xi32, #tpu.memory_space<vmem>>
        %dma_start3A_37 = tpu.memref_slice %arg2[%mul3A_11] : memref<16384xi32, #tpu.memory_space<hbm>> -> memref<32xi32, #tpu.memory_space<hbm>>
        tpu.enqueue_dma source(%dma_start3A_37 : memref<32xi32, #tpu.memory_space<hbm>>) target(%dma_start3A_36 : memref<32xi32, #tpu.memory_space<vmem>>) target_semaphore(%run_scoped3A : memref<!tpu.dma_semaphore, #tpu.memory_space<semaphore_mem>>)
        %dma_wait3A_38 = arith.constant 320 : i32
        %dma_wait3A_39 = tpu.memref_slice %arg8[%dma_wait3A_38] : memref<352xi32, #tpu.memory_space<vmem>> -> memref<32xi32, #tpu.memory_space<vmem>>
        %dma_wait3A_40 = tpu.memref_slice %arg2[%mul3A_11] : memref<16384xi32, #tpu.memory_space<hbm>> -> memref<32xi32, #tpu.memory_space<hbm>>
        %dma_wait3A_41 = arith.constant 320 : i32
        %dma_wait3A_42 = tpu.memref_slice %arg8[%dma_wait3A_41] : memref<352xi32, #tpu.memory_space<vmem>> -> memref<32xi32, #tpu.memory_space<vmem>>
        %dma_wait3A_43 = tpu.memref_slice %arg2[%mul3A_11] : memref<16384xi32, #tpu.memory_space<hbm>> -> memref<32xi32, #tpu.memory_space<hbm>>
        tpu.wait_dma2 semaphore(%run_scoped3A : memref<!tpu.dma_semaphore, #tpu.memory_space<semaphore_mem>>) src(%dma_wait3A_43 : memref<32xi32, #tpu.memory_space<hbm>>) dst(%dma_wait3A_42 : memref<32xi32, #tpu.memory_space<vmem>>)
        tpu.yield
      }) : () -> ()
      %mul3A_12 = arith.constant 10 : i32
      %mul3A_13 = arith.muli %mul3A_11, %mul3A_12 : i32
      "tpu.region"() ({
        %run_scoped3A = tpu.sem_alloc : memref<!tpu.dma_semaphore, #tpu.memory_space<semaphore_mem>>
        %dma_start3A_32 = tpu.memref_slice %arg3[%mul3A_13] : memref<163840xi32, #tpu.memory_space<hbm>> -> memref<320xi32, #tpu.memory_space<hbm>>
        %dma_start3A_33 = tpu.memref_slice %arg3[%mul3A_13] : memref<163840xi32, #tpu.memory_space<hbm>> -> memref<320xi32, #tpu.memory_space<hbm>>
        tpu.enqueue_dma source(%dma_start3A_33 : memref<320xi32, #tpu.memory_space<hbm>>) target(%arg7 : memref<320xi32, #tpu.memory_space<vmem>>) target_semaphore(%run_scoped3A : memref<!tpu.dma_semaphore, #tpu.memory_space<semaphore_mem>>)
        %dma_wait3A_34 = tpu.memref_slice %arg3[%mul3A_13] : memref<163840xi32, #tpu.memory_space<hbm>> -> memref<320xi32, #tpu.memory_space<hbm>>
        %dma_wait3A_35 = tpu.memref_slice %arg3[%mul3A_13] : memref<163840xi32, #tpu.memory_space<hbm>> -> memref<320xi32, #tpu.memory_space<hbm>>
        tpu.wait_dma2 semaphore(%run_scoped3A : memref<!tpu.dma_semaphore, #tpu.memory_space<semaphore_mem>>) src(%dma_wait3A_35 : memref<320xi32, #tpu.memory_space<hbm>>) dst(%arg7 : memref<320xi32, #tpu.memory_space<vmem>>)
        tpu.yield
      }) : () -> ()
      %dma_start3A = arith.constant 0 : i32
      %dma_start3A_14 = tpu.memref_slice %arg8[%dma_start3A] : memref<352xi32, #tpu.memory_space<vmem>> -> memref<320xi32, #tpu.memory_space<vmem>>
      %dma_start3A_15 = arith.constant 0 : i32
      %dma_start3A_16 = tpu.memref_slice %arg4[%dma_start3A_15] : memref<1000000xi32, #tpu.memory_space<hbm>> -> memref<1000000xi32, #tpu.memory_space<hbm>>
      tpu.enqueue_indirect_dma source(%dma_start3A_16 : memref<1000000xi32, #tpu.memory_space<hbm>>) target(%dma_start3A_14 : memref<320xi32, #tpu.memory_space<vmem>>) offsets(%arg7 : memref<320xi32, #tpu.memory_space<vmem>>) semaphore(%arg11 : memref<!tpu.dma_semaphore, #tpu.memory_space<semaphore_mem>>)
      %dma_wait3A = arith.constant 0 : i32
      %dma_wait3A_17 = tpu.memref_slice %arg8[%dma_wait3A] : memref<352xi32, #tpu.memory_space<vmem>> -> memref<320xi32, #tpu.memory_space<vmem>>
      %dma_wait3A_18 = arith.constant 0 : i32
      %dma_wait3A_19 = tpu.memref_slice %arg4[%dma_wait3A_18] : memref<1000000xi32, #tpu.memory_space<hbm>> -> memref<1000000xi32, #tpu.memory_space<hbm>>
      tpu.wait_indirect_dma semaphore(%arg11 : memref<!tpu.dma_semaphore, #tpu.memory_space<semaphore_mem>>) src(%dma_wait3A_19 : memref<1000000xi32, #tpu.memory_space<hbm>>) dst(%dma_wait3A_17 : memref<320xi32, #tpu.memory_space<vmem>>)
      %dma_start3A_20 = arith.constant 0 : i32
      %dma_start3A_21 = arith.constant 0 : i32
      %dma_start3A_22 = tpu.memref_slice %arg5[%dma_start3A_20, %dma_start3A_21] : memref<100352x128xf32, #tpu.memory_space<hbm>> -> memref<100352x128xf32, #tpu.memory_space<hbm>>
      tpu.enqueue_indirect_dma source(%dma_start3A_22 : memref<100352x128xf32, #tpu.memory_space<hbm>>) target(%arg9 : memref<352x128xf32, #tpu.memory_space<vmem>>) offsets(%arg8 : memref<352xi32, #tpu.memory_space<vmem>>) semaphore(%arg11 : memref<!tpu.dma_semaphore, #tpu.memory_space<semaphore_mem>>)
      %dma_wait3A_23 = arith.constant 0 : i32
      %dma_wait3A_24 = arith.constant 0 : i32
      %dma_wait3A_25 = tpu.memref_slice %arg5[%dma_wait3A_23, %dma_wait3A_24] : memref<100352x128xf32, #tpu.memory_space<hbm>> -> memref<100352x128xf32, #tpu.memory_space<hbm>>
      tpu.wait_indirect_dma semaphore(%arg11 : memref<!tpu.dma_semaphore, #tpu.memory_space<semaphore_mem>>) src(%dma_wait3A_25 : memref<100352x128xf32, #tpu.memory_space<hbm>>) dst(%arg9 : memref<352x128xf32, #tpu.memory_space<vmem>>)
      %scan3A_26 = arith.constant 0 : i32
      %scan3A_27 = arith.constant 0 : i32
      %scan3A_28 = arith.constant 32 : i32
      %scan3A_29 = arith.addi %scan3A_27, %scan3A_28 : i32
      %scan3A_30 = arith.constant 1 : i32
      scf.for %scan3A_32 = %scan3A_27 to %scan3A_29 step %scan3A_30  : i32 {
        %scan3A_33 = arith.constant 0 : i32
        %scan3A_34 = arith.constant 8 : i32
        %scan3A_35 = arith.addi %scan3A_33, %scan3A_34 : i32
        %scan3A_36 = arith.constant 1 : i32
        scf.for %scan3A_38 = %scan3A_33 to %scan3A_35 step %scan3A_36  : i32 {
          %mul3A_39 = arith.constant 16 : i32
          %mul3A_40 = arith.muli %scan3A_38, %mul3A_39 : i32
          %add3A_41 = arith.constant 320 : i32
          %add3A_42 = arith.addi %add3A_41, %scan3A_32 : i32
          %get3A = arith.index_cast %add3A_42 : i32 to index
          %get3A_43 = arith.index_cast %mul3A_40 : i32 to index
          %get3A_44 = tpu.vector_load %arg9[%get3A, %get3A_43] {strides = array<i32>} : memref<352x128xf32, #tpu.memory_space<vmem>>, vector<1x16xf32>,
          %get3A_45 = vector.shape_cast %get3A_44 : vector<1x16xf32> to vector<16xf32>
          %mul3A_46 = arith.constant 10 : i32
          %mul3A_47 = arith.muli %mul3A_46, %scan3A_32 : i32
          %add3A_48 = arith.constant 0 : i32
          %add3A_49 = arith.addi %mul3A_47, %add3A_48 : i32
          %get3A_50 = arith.index_cast %add3A_49 : i32 to index
          %get3A_51 = arith.index_cast %mul3A_40 : i32 to index
          %get3A_52 = tpu.vector_load %arg9[%get3A_50, %get3A_51] {strides = array<i32>} : memref<352x128xf32, #tpu.memory_space<vmem>>, vector<1x16xf32>,
          %get3A_53 = vector.shape_cast %get3A_52 : vector<1x16xf32> to vector<16xf32>
          %add3A_54 = arith.addf %get3A_45, %get3A_53 : vector<16xf32>
          %mul3A_55 = arith.constant 10 : i32
          %mul3A_56 = arith.muli %mul3A_55, %scan3A_32 : i32
          %add3A_57 = arith.constant 1 : i32
          %add3A_58 = arith.addi %mul3A_56, %add3A_57 : i32
          %get3A_59 = arith.index_cast %add3A_58 : i32 to index
          %get3A_60 = arith.index_cast %mul3A_40 : i32 to index
          %get3A_61 = tpu.vector_load %arg9[%get3A_59, %get3A_60] {strides = array<i32>} : memref<352x128xf32, #tpu.memory_space<vmem>>, vector<1x16xf32>,
          %get3A_62 = vector.shape_cast %get3A_61 : vector<1x16xf32> to vector<16xf32>
          %add3A_63 = arith.addf %add3A_54, %get3A_62 : vector<16xf32>
          %mul3A_64 = arith.constant 10 : i32
          %mul3A_65 = arith.muli %mul3A_64, %scan3A_32 : i32
          %add3A_66 = arith.constant 2 : i32
          %add3A_67 = arith.addi %mul3A_65, %add3A_66 : i32
          %get3A_68 = arith.index_cast %add3A_67 : i32 to index
          %get3A_69 = arith.index_cast %mul3A_40 : i32 to index
          %get3A_70 = tpu.vector_load %arg9[%get3A_68, %get3A_69] {strides = array<i32>} : memref<352x128xf32, #tpu.memory_space<vmem>>, vector<1x16xf32>,
          %get3A_71 = vector.shape_cast %get3A_70 : vector<1x16xf32> to vector<16xf32>
          %add3A_72 = arith.addf %add3A_63, %get3A_71 : vector<16xf32>
          %mul3A_73 = arith.constant 10 : i32
          %mul3A_74 = arith.muli %mul3A_73, %scan3A_32 : i32
          %add3A_75 = arith.constant 3 : i32
          %add3A_76 = arith.addi %mul3A_74, %add3A_75 : i32
          %get3A_77 = arith.index_cast %add3A_76 : i32 to index
          %get3A_78 = arith.index_cast %mul3A_40 : i32 to index
          %get3A_79 = tpu.vector_load %arg9[%get3A_77, %get3A_78] {strides = array<i32>} : memref<352x128xf32, #tpu.memory_space<vmem>>, vector<1x16xf32>,
          %get3A_80 = vector.shape_cast %get3A_79 : vector<1x16xf32> to vector<16xf32>
          %add3A_81 = arith.addf %add3A_72, %get3A_80 : vector<16xf32>
          %mul3A_82 = arith.constant 10 : i32
          %mul3A_83 = arith.muli %mul3A_82, %scan3A_32 : i32
          %add3A_84 = arith.constant 4 : i32
          %add3A_85 = arith.addi %mul3A_83, %add3A_84 : i32
          %get3A_86 = arith.index_cast %add3A_85 : i32 to index
          %get3A_87 = arith.index_cast %mul3A_40 : i32 to index
          %get3A_88 = tpu.vector_load %arg9[%get3A_86, %get3A_87] {strides = array<i32>} : memref<352x128xf32, #tpu.memory_space<vmem>>, vector<1x16xf32>,
          %get3A_89 = vector.shape_cast %get3A_88 : vector<1x16xf32> to vector<16xf32>
          %add3A_90 = arith.addf %add3A_81, %get3A_89 : vector<16xf32>
          %mul3A_91 = arith.constant 10 : i32
          %mul3A_92 = arith.muli %mul3A_91, %scan3A_32 : i32
          %add3A_93 = arith.constant 5 : i32
          %add3A_94 = arith.addi %mul3A_92, %add3A_93 : i32
          %get3A_95 = arith.index_cast %add3A_94 : i32 to index
          %get3A_96 = arith.index_cast %mul3A_40 : i32 to index
          %get3A_97 = tpu.vector_load %arg9[%get3A_95, %get3A_96] {strides = array<i32>} : memref<352x128xf32, #tpu.memory_space<vmem>>, vector<1x16xf32>,
          %get3A_98 = vector.shape_cast %get3A_97 : vector<1x16xf32> to vector<16xf32>
          %add3A_99 = arith.addf %add3A_90, %get3A_98 : vector<16xf32>
          %mul3A_100 = arith.constant 10 : i32
          %mul3A_101 = arith.muli %mul3A_100, %scan3A_32 : i32
          %add3A_102 = arith.constant 6 : i32
          %add3A_103 = arith.addi %mul3A_101, %add3A_102 : i32
          %get3A_104 = arith.index_cast %add3A_103 : i32 to index
          %get3A_105 = arith.index_cast %mul3A_40 : i32 to index
          %get3A_106 = tpu.vector_load %arg9[%get3A_104, %get3A_105] {strides = array<i32>} : memref<352x128xf32, #tpu.memory_space<vmem>>, vector<1x16xf32>,
          %get3A_107 = vector.shape_cast %get3A_106 : vector<1x16xf32> to vector<16xf32>
          %add3A_108 = arith.addf %add3A_99, %get3A_107 : vector<16xf32>
          %mul3A_109 = arith.constant 10 : i32
          %mul3A_110 = arith.muli %mul3A_109, %scan3A_32 : i32
          %add3A_111 = arith.constant 7 : i32
          %add3A_112 = arith.addi %mul3A_110, %add3A_111 : i32
          %get3A_113 = arith.index_cast %add3A_112 : i32 to index
          %get3A_114 = arith.index_cast %mul3A_40 : i32 to index
          %get3A_115 = tpu.vector_load %arg9[%get3A_113, %get3A_114] {strides = array<i32>} : memref<352x128xf32, #tpu.memory_space<vmem>>, vector<1x16xf32>,
          %get3A_116 = vector.shape_cast %get3A_115 : vector<1x16xf32> to vector<16xf32>
          %add3A_117 = arith.addf %add3A_108, %get3A_116 : vector<16xf32>
          %mul3A_118 = arith.constant 10 : i32
          %mul3A_119 = arith.muli %mul3A_118, %scan3A_32 : i32
          %add3A_120 = arith.constant 8 : i32
          %add3A_121 = arith.addi %mul3A_119, %add3A_120 : i32
          %get3A_122 = arith.index_cast %add3A_121 : i32 to index
          %get3A_123 = arith.index_cast %mul3A_40 : i32 to index
          %get3A_124 = tpu.vector_load %arg9[%get3A_122, %get3A_123] {strides = array<i32>} : memref<352x128xf32, #tpu.memory_space<vmem>>, vector<1x16xf32>,
          %get3A_125 = vector.shape_cast %get3A_124 : vector<1x16xf32> to vector<16xf32>
          %add3A_126 = arith.addf %add3A_117, %get3A_125 : vector<16xf32>
          %mul3A_127 = arith.constant 10 : i32
          %mul3A_128 = arith.muli %mul3A_127, %scan3A_32 : i32
          %add3A_129 = arith.constant 9 : i32
          %add3A_130 = arith.addi %mul3A_128, %add3A_129 : i32
          %get3A_131 = arith.index_cast %add3A_130 : i32 to index
          %get3A_132 = arith.index_cast %mul3A_40 : i32 to index
          %get3A_133 = tpu.vector_load %arg9[%get3A_131, %get3A_132] {strides = array<i32>} : memref<352x128xf32, #tpu.memory_space<vmem>>, vector<1x16xf32>,
          %get3A_134 = vector.shape_cast %get3A_133 : vector<1x16xf32> to vector<16xf32>
          %add3A_135 = arith.addf %add3A_126, %get3A_134 : vector<16xf32>
          %swap3A = arith.index_cast %scan3A_32 : i32 to index
          %swap3A_136 = arith.index_cast %mul3A_40 : i32 to index
          %swap3A_137 = tpu.vector_load %arg10[%swap3A, %swap3A_136] {strides = array<i32>} : memref<32x128xf32, #tpu.memory_space<vmem>>, vector<1x16xf32>,
          %swap3A_138 = vector.shape_cast %swap3A_137 : vector<1x16xf32> to vector<16xf32>
          %swap3A_139 = vector.shape_cast %add3A_135 : vector<16xf32> to vector<1x16xf32>
          tpu.vector_store %arg10[%swap3A, %swap3A_136], %swap3A_139 {strides = array<i32>} : memref<32x128xf32, #tpu.memory_space<vmem>>, vector<1x16xf32>,
        }
        %scan3A_37 = arith.constant 8 : i32
      }
      %scan3A_31 = arith.constant 32 : i32
      "tpu.region"() ({
        %run_scoped3A = tpu.sem_alloc : memref<!tpu.dma_semaphore, #tpu.memory_space<semaphore_mem>>
        %dma_start3A_32 = arith.constant 0 : i32
        %dma_start3A_33 = tpu.memref_slice %arg6[%mul3A_11, %dma_start3A_32] : memref<16384x128xf32, #tpu.memory_space<hbm>> -> memref<32x128xf32, #tpu.memory_space<hbm>>
        %dma_start3A_34 = arith.constant 0 : i32
        %dma_start3A_35 = tpu.memref_slice %arg6[%mul3A_11, %dma_start3A_34] : memref<16384x128xf32, #tpu.memory_space<hbm>> -> memref<32x128xf32, #tpu.memory_space<hbm>>
        tpu.enqueue_dma source(%arg10 : memref<32x128xf32, #tpu.memory_space<vmem>>) target(%dma_start3A_35 : memref<32x128xf32, #tpu.memory_space<hbm>>) target_semaphore(%run_scoped3A : memref<!tpu.dma_semaphore, #tpu.memory_space<semaphore_mem>>)
        %dma_wait3A_36 = arith.constant 0 : i32
        %dma_wait3A_37 = tpu.memref_slice %arg6[%mul3A_11, %dma_wait3A_36] : memref<16384x128xf32, #tpu.memory_space<hbm>> -> memref<32x128xf32, #tpu.memory_space<hbm>>
        %dma_wait3A_38 = arith.constant 0 : i32
        %dma_wait3A_39 = tpu.memref_slice %arg6[%mul3A_11, %dma_wait3A_38] : memref<16384x128xf32, #tpu.memory_space<hbm>> -> memref<32x128xf32, #tpu.memory_space<hbm>>
        tpu.wait_dma2 semaphore(%run_scoped3A : memref<!tpu.dma_semaphore, #tpu.memory_space<semaphore_mem>>) src(%arg10 : memref<32x128xf32, #tpu.memory_space<vmem>>) dst(%dma_wait3A_39 : memref<32x128xf32, #tpu.memory_space<hbm>>)
        tpu.yield
      }) : () -> ()
    }
    %scan3A_5 = arith.constant 16 : i32
    return
  }
}

module attributes {stable_mosaic.version = 14 : i64} {
  func.func @_mm1_body(%arg0: i32, %arg1: memref<2048x128xf32, #tpu.memory_space<vmem>>, %arg2: memref<128x128xf32, #tpu.memory_space<vmem>>, %arg3: memref<2048x128xf32, #tpu.memory_space<vmem>>) attributes {dimension_semantics = [#tpu.dimension_semantics<arbitrary>], iteration_bounds = array<i64: 49>, scalar_prefetch = 0 : i64, scratch_operands = 0 : i64, tpu.core_type = #tpu.core_type<tc>, window_params = [{transform_indices = @transform_0, window_bounds = array<i64: 2048, 128>}, {pipeline_mode = #tpu.pipeline_mode<synchronous>, transform_indices = @transform_1, window_bounds = array<i64: 128, 128>}, {transform_indices = @transform_2, window_bounds = array<i64: 2048, 128>}]} {
    %get3A = arith.constant 0 : index
    %get3A_0 = arith.constant 0 : index
    %get3A_1 = vector.load %arg1[%get3A, %get3A_0] : memref<2048x128xf32, #tpu.memory_space<vmem>>, vector<2048x128xf32>
    %get3A_2 = arith.constant 0 : index
    %get3A_3 = arith.constant 0 : index
    %get3A_4 = vector.load %arg2[%get3A_2, %get3A_3] : memref<128x128xf32, #tpu.memory_space<vmem>>, vector<128x128xf32>
    %dot_general3A = arith.constant dense<0.000000e+00> : vector<2048x128xf32>
    %dot_general3A_5 = tpu.matmul %get3A_1, %get3A_4, %dot_general3A {dimension_numbers = #tpu.dot_dimension_numbers<[1], [0], [0], [1], [0, 0, 1, 1], [], []>, transpose_lhs_hint = false} : vector<2048x128xf32>, vector<128x128xf32>, vector<2048x128xf32> -> vector<2048x128xf32>
    %mul3A = arith.constant 2.000000e-01 : f32
    %mul3A_6 = vector.broadcast %mul3A : f32 to vector<2048x128xf32>
    %mul3A_7 = arith.mulf %mul3A_6, %dot_general3A_5 : vector<2048x128xf32>
    %max3A = arith.maximumf %dot_general3A_5, %mul3A_7 : vector<2048x128xf32>
    %swap3A = arith.constant 0 : index
    %swap3A_8 = arith.constant 0 : index
    %swap3A_9 = vector.load %arg3[%swap3A, %swap3A_8] : memref<2048x128xf32, #tpu.memory_space<vmem>>, vector<2048x128xf32>
    tpu.vector_store %arg3[%swap3A, %swap3A_8], %max3A {strides = array<i32>} : memref<2048x128xf32, #tpu.memory_space<vmem>>, vector<2048x128xf32>,
    return
  }
  func.func @transform_0(%arg0: i32) -> (i32, i32) {
    %c0_i32 = arith.constant 0 : i32
    %c0_i32_0 = arith.constant 0 : i32
    return %arg0, %c0_i32 : i32, i32
  }
  func.func @transform_1(%arg0: i32) -> (i32, i32) {
    %c0_i32 = arith.constant 0 : i32
    %c0_i32_0 = arith.constant 0 : i32
    %c0_i32_1 = arith.constant 0 : i32
    return %c0_i32, %c0_i32_0 : i32, i32
  }
  func.func @transform_2(%arg0: i32) -> (i32, i32) {
    %c0_i32 = arith.constant 0 : i32
    %c0_i32_0 = arith.constant 0 : i32
    return %arg0, %c0_i32 : i32, i32
  }
}

module attributes {stable_mosaic.version = 14 : i64} {
  func.func @_mm2_body(%arg0: i32, %arg1: memref<2048x128xf32, #tpu.memory_space<vmem>>, %arg2: memref<128x128xf32, #tpu.memory_space<vmem>>, %arg3: memref<128x40xf32, #tpu.memory_space<vmem>>, %arg4: memref<2048x40xf32, #tpu.memory_space<vmem>>) attributes {dimension_semantics = [#tpu.dimension_semantics<arbitrary>], iteration_bounds = array<i64: 8>, scalar_prefetch = 0 : i64, scratch_operands = 0 : i64, tpu.core_type = #tpu.core_type<tc>, window_params = [{transform_indices = @transform_0, window_bounds = array<i64: 2048, 128>}, {pipeline_mode = #tpu.pipeline_mode<synchronous>, transform_indices = @transform_1, window_bounds = array<i64: 128, 128>}, {pipeline_mode = #tpu.pipeline_mode<synchronous>, transform_indices = @transform_2, window_bounds = array<i64: 128, 40>}, {transform_indices = @transform_3, window_bounds = array<i64: 2048, 40>}]} {
    %get3A = arith.constant 0 : index
    %get3A_0 = arith.constant 0 : index
    %get3A_1 = vector.load %arg1[%get3A, %get3A_0] : memref<2048x128xf32, #tpu.memory_space<vmem>>, vector<2048x128xf32>
    %get3A_2 = arith.constant 0 : index
    %get3A_3 = arith.constant 0 : index
    %get3A_4 = vector.load %arg2[%get3A_2, %get3A_3] : memref<128x128xf32, #tpu.memory_space<vmem>>, vector<128x128xf32>
    %dot_general3A = arith.constant dense<0.000000e+00> : vector<2048x128xf32>
    %dot_general3A_5 = tpu.matmul %get3A_1, %get3A_4, %dot_general3A {dimension_numbers = #tpu.dot_dimension_numbers<[1], [0], [0], [1], [0, 0, 1, 1], [], []>, transpose_lhs_hint = false} : vector<2048x128xf32>, vector<128x128xf32>, vector<2048x128xf32> -> vector<2048x128xf32>
    %mul3A = arith.constant 2.000000e-01 : f32
    %mul3A_6 = vector.broadcast %mul3A : f32 to vector<2048x128xf32>
    %mul3A_7 = arith.mulf %mul3A_6, %dot_general3A_5 : vector<2048x128xf32>
    %max3A = arith.maximumf %dot_general3A_5, %mul3A_7 : vector<2048x128xf32>
    %get3A_8 = arith.constant 0 : index
    %get3A_9 = arith.constant 0 : index
    %get3A_10 = vector.load %arg3[%get3A_8, %get3A_9] : memref<128x40xf32, #tpu.memory_space<vmem>>, vector<128x40xf32>
    %dot_general3A_11 = arith.constant dense<0.000000e+00> : vector<2048x40xf32>
    %dot_general3A_12 = tpu.matmul %max3A, %get3A_10, %dot_general3A_11 {dimension_numbers = #tpu.dot_dimension_numbers<[1], [0], [0], [1], [0, 0, 1, 1], [], []>, transpose_lhs_hint = false} : vector<2048x128xf32>, vector<128x40xf32>, vector<2048x40xf32> -> vector<2048x40xf32>
    %swap3A = arith.constant 0 : index
    %swap3A_13 = arith.constant 0 : index
    %swap3A_14 = vector.load %arg4[%swap3A, %swap3A_13] : memref<2048x40xf32, #tpu.memory_space<vmem>>, vector<2048x40xf32>
    tpu.vector_store %arg4[%swap3A, %swap3A_13], %dot_general3A_12 {strides = array<i32>} : memref<2048x40xf32, #tpu.memory_space<vmem>>, vector<2048x40xf32>,
    return
  }
  func.func @transform_0(%arg0: i32) -> (i32, i32) {
    %c0_i32 = arith.constant 0 : i32
    %c0_i32_0 = arith.constant 0 : i32
    return %arg0, %c0_i32 : i32, i32
  }
  func.func @transform_1(%arg0: i32) -> (i32, i32) {
    %c0_i32 = arith.constant 0 : i32
    %c0_i32_0 = arith.constant 0 : i32
    %c0_i32_1 = arith.constant 0 : i32
    return %c0_i32, %c0_i32_0 : i32, i32
  }
  func.func @transform_2(%arg0: i32) -> (i32, i32) {
    %c0_i32 = arith.constant 0 : i32
    %c0_i32_0 = arith.constant 0 : i32
    %c0_i32_1 = arith.constant 0 : i32
    return %c0_i32, %c0_i32_0 : i32, i32
  }
  func.func @transform_3(%arg0: i32) -> (i32, i32) {
    %c0_i32 = arith.constant 0 : i32
    %c0_i32_0 = arith.constant 0 : i32
    return %arg0, %c0_i32 : i32, i32
  }
}

</mosaic_0001>

<sc_bundles>
// kernel: kernel.6.cloned.1.call-start
scs
__scs_entry_jumppad:
0x0: {  	(pc) =	sbr.rel $0x88, $3  }
0x1: {  	(tag) =	ssettag $0x0;
	lr =	simm.s32 $0x1  }
0x2: {  	[smem:$0x3F9A] =	sst lr;
	_ =	strace $0xD0000000  }
0x3: {  	_ = 	snop  }
0x4: {  	_ = 	snop  }
0x5: {  	_ = 	snop  }
0x6: {  	_ = 	snop  }
0x7: {  	_ = 	snop  }
__scs_overlays_trampoline_lowered:
0x8: {  	[smem:$0x3FA9] =	sst s0  }
0x9: {  	[smem:$0x3FAA] =	sst s1  }
0xa: {  	[smem:$0x3FAB] =	sst s2  }
0xb: {  	[smem:$0x3FAC] =	sst s3  }
0xc: {  	[smem:$0x3FAD] =	sst s4  }
0xd: {  	[smem:$0x3FAE] =	sst s5  }
0xe: {  	[smem:$0x3FAF] =	sst s6  }
0xf: {  	[smem:$0x3FB0] =	sst s7  }
0x10: {  	[smem:$0x3FB1] =	sst s8  }
0x11: {  	[smem:$0x3FB2] =	sst s9;
	s0 =	simm.s32 @!p0 $0x0  }
0x12: {  	s1 =	sld [smem:$0x3F98];
	s0 =	simm.s32 @p0 $0x1  }
0x13: {  	[smem:$0x3FB3] =	sst s0;
	s0 =	simm.s32 @!p1 $0x0  }
0x14: {  	s2 =	sld [smem:$0x3F97];
	s0 =	simm.s32 @p1 $0x1  }
0x15: {  	[smem:$0x3FB4] =	sst s0;
	s0 =	simm.s32 @!p2 $0x0  }
0x16: {  	s3 =	sld [smem:$0x3FDB];
	s0 =	simm.s32 @p2 $0x1  }
0x17: {  	s4 =	simm.s32 $0x1BF5;
	[smem:$0x3FB6] =	sst s0  }
0x18: {  	s0 =	sld [smem:$0x3F99];
	_ =	swait.ge [sflag:s4], $0x0  }
0x19: {  	s7 =	sld [smem:$0x3F9A]  }
0x1a: {  	s8 =	sadd.s32 $0xFFFFE003, lr  }
0x1b: {  	s9 =	sadd.s32 $0xFFFFFEF7, lr;
	s5 =	simm.s32 $0xFFFFFFFF;
	p2 =	slt.u32 s8, $0xFFFFF086  }
0x1c: {  	p1 =	slt.u32 s9, $0xF7A;
	s5 =	simm.s32 @!p2 $0x0  }
0x1d: {  	s5 =	simm.s32 @p1 $0x1;
	p0 =	seq.s32 s7, s2  }
0x1e: {  	s7 =	smul.u32 @!p0 $0xF7A, s2;
	p2 =	seq.s32 @!p0 s5, $0x0  }
0x1f: {  	s9 =	smul.u32 $0xF7A, s1;
	s8 =	simm.s32 @!p0 $0x1BF5;
	p2 =	por !p2, p0  }
0x20: {  	[sflag:s8] =	ssyncset.s32 @!p0 $0xFFFFF086;
	s6 =	sadd.s32 @!p0 s3, s7;
	s7 =	simm.s32 @!p0 $0x108  }
0x21: {  	s3 =	sadd.s32 s3, s9;
	s6 =	sadd.s32 @!p0 $0x88, s6;
	s7 =	simm.s32 @p2 $0x1082  }
0x22: {  	[simem:s7], [sflag:s8] =	dma.local @!p0 [hbm:s6], $0xF7A  }
0x23: {  	s9 =	sor.u32 $0xD0000000, s2;
	s6 =	simm.s32 $0x108;
	_ =	swait.ge @!p0 [sflag:s8], $0x0  }
0x24: {  	s3 =	sadd.s32 $0x88, s3;
	s6 =	simm.s32 @!p1 $0x1082;
	[sflag:s4] =	ssyncset.s32 $0xFFFFF086  }
0x25: {  	[simem:s6], [sflag:s4] =	dma.local [hbm:s3], $0xF7A  }
0x26: {  	[smem:$0x3F9A] =	sst s1;
	(tag) =	ssettag s2;
	_ =	strace s9  }
0x27: {  	s1 =	sld [smem:$0x3FAA]  }
0x28: {  	s2 =	sld [smem:$0x3FAB]  }
0x29: {  	s4 =	sld [smem:$0x3FAD]  }
0x2a: {  	p0 =	seq.s32 s5, $0x0;
	s5 =	sld [smem:$0x3FAE]  }
0x2b: {  	s6 =	sld [smem:$0x3FAF]  }
0x2c: {  	s7 =	sld [smem:$0x3FB0]  }
0x2d: {  	s3 =	simm.s32 $0x108;
	s8 =	sld [smem:$0x3FB1]  }
0x2e: {  	s3 =	simm.s32 @!p0 $0x1082;
	s9 =	sld [smem:$0x3FB2]  }
0x2f: {  	lr =	sadd.s32 s0, s3;
	s0 =	sld [smem:$0x3FA9]  }
0x30: {  	s3 =	sld [smem:$0x3FAC]  }
0x31: {  	[smem:$0x3FB5] =	sst s10  }
0x32: {  	s10 =	sld [smem:$0x3FB3];
	_ =	sdelay $0x3  }
0x33: {  	p0 =	seq.s32 s10, $0x1;
	s10 =	sld [smem:$0x3FB5];
	_ =	sdelay $0x3  }
0x34: {  	[smem:$0x3FB5] =	sst s10  }
0x35: {  	s10 =	sld [smem:$0x3FB4];
	_ =	sdelay $0x3  }
0x36: {  	p1 =	seq.s32 s10, $0x1;
	s10 =	sld [smem:$0x3FB5];
	_ =	sdelay $0x3  }
0x37: {  	[smem:$0x3FB5] =	sst s10  }
0x38: {  	s10 =	sld [smem:$0x3FB6]  }
0x39: {  	_ = 	snop;
	(pc) =	sbr.ind lr, $3  }
0x3a: {  	_ = 	snop  }
0x3b: {  	_ = 	snop  }
0x3c: {  	p2 =	seq.s32 s10, $0x1;
	s10 =	sld [smem:$0x3FB5]  }
0x3d: {  	_ =	shalt  }
0x3e: {  	_ =	shalt  }
0x3f: {  	_ =	shalt  }
0x40: {  	_ =	shalt  }
0x41: {  	_ =	shalt  }
0x42: {  	_ =	shalt  }
0x43: {  	_ =	shalt  }
0x44: {  	_ =	shalt  }
0x45: {  	_ =	shalt  }
0x46: {  	_ =	shalt  }
0x47: {  	_ =	shalt  }
0x48: {  	_ =	shalt  }
0x49: {  	_ =	shalt  }
0x4a: {  	_ =	shalt  }
0x4b: {  	_ =	shalt  }
0x4c: {  	_ =	shalt  }
0x4d: {  	_ =	shalt  }
0x4e: {  	_ =	shalt  }
0x4f: {  	_ =	shalt  }
0x50: {  	_ =	shalt  }
0x51: {  	_ =	shalt  }
0x52: {  	_ =	shalt  }
0x53: {  	_ =	shalt  }
0x54: {  	_ =	shalt  }
0x55: {  	_ =	shalt  }
0x56: {  	_ =	shalt  }
0x57: {  	_ =	shalt  }
0x58: {  	_ =	shalt  }
0x59: {  	_ =	shalt  }
0x5a: {  	_ =	shalt  }
0x5b: {  	_ =	shalt  }
0x5c: {  	_ =	shalt  }
0x5d: {  	_ =	shalt  }
0x5e: {  	_ =	shalt  }
0x5f: {  	_ =	shalt  }
0x60: {  	_ =	shalt  }
0x61: {  	_ =	shalt  }
0x62: {  	_ =	shalt  }
0x63: {  	_ =	shalt  }
0x64: {  	_ =	shalt  }
0x65: {  	_ =	shalt  }
0x66: {  	_ =	shalt  }
0x67: {  	_ =	shalt  }
0x68: {  	_ =	shalt  }
0x69: {  	_ =	shalt  }
0x6a: {  	_ =	shalt  }
0x6b: {  	_ =	shalt  }
0x6c: {  	_ =	shalt  }
0x6d: {  	_ =	shalt  }
0x6e: {  	_ =	shalt  }
0x6f: {  	_ =	shalt  }
0x70: {  	_ =	shalt  }
0x71: {  	_ =	shalt  }
0x72: {  	_ =	shalt  }
0x73: {  	_ =	shalt  }
0x74: {  	_ =	shalt  }
0x75: {  	_ =	shalt  }
0x76: {  	_ =	shalt  }
0x77: {  	_ =	shalt  }
0x78: {  	_ =	shalt  }
0x79: {  	_ =	shalt  }
0x7a: {  	_ =	shalt  }
0x7b: {  	_ =	shalt  }
0x7c: {  	_ =	shalt  }
0x7d: {  	_ =	shalt  }
0x7e: {  	_ =	shalt  }
0x7f: {  	_ =	shalt  }
0x80: {  	_ =	shalt  }
0x81: {  	_ =	shalt  }
0x82: {  	_ =	shalt  }
0x83: {  	_ =	shalt  }
0x84: {  	_ =	shalt  }
0x85: {  	_ =	shalt  }
0x86: {  	_ =	shalt  }
0x87: {  	_ =	shalt  }
.Lfunc_end0:
.L_simem_size_0:
called_computation_lowered:
.L_overlay_start_0:
0x88: {  	s2 =	sld [smem:$0x3FD9]  }
0x89: {  	s3 =	sld [smem:$0x3FFE];
	_ =	sdelay $0x1  }
0x8a: {  	s1 =	srdreg.scid  }
0x8b: {  	s0 =	sand.u32 $0x1, s1  }
0x8c: {  	s17 =	sshll.u32 s0, $0xA;
	s2 =	sadd.s32 s3, s2  }
0x8d: {  	s2 =	sadd.s32 s2, s17  }
0x8e: {  	[smem:$0x3FC1] =	sst s2  }
0x8f: {  	_ = 	snop  }
0x90: {  	s2 =	sld [smem:$0x3FC6]  }
0x91: {  	s18 =	sld [smem:$0x3FD0];
	(tm) =	ssettm $0x1  }
0x92: {  	s4 =	sld [smem:$0x3FFB];
	_ =	sdelay $0x3  }
0x93: {  	_ =	strace s4  }
0x94: {  	s4 =	sld [smem:$0x3FFC];
	_ =	sdelay $0x3  }
0x95: {  	_ =	strace s4  }
0x96: {  	s4 =	sld [smem:$0x3FFD];
	_ =	sdelay $0x3  }
0x97: {  	_ =	strace s4  }
0x98: {  	_ =	strace $0x8FFFFFFF  }
0x99: {  	s19 =	sld [smem:$0x3FDB];
	_ =	sdelay $0x1  }
0x9a: {  	s5 =	simm.s32 $_scs_section_size  }
0x9b: {  	s6 =	simm.s32 $_size__tile_overlayer_lowered;
	s7 =	simm.s32 $_tile_overlayer_lowered  }
0x9c: {  	s22 =	simm.s32 $0x1BFF;
	s21 =	sshll.u32 s7, $0x1;
	s4 =	sadd.s32 s5, s19  }
0x9d: {  	s8 =	simm.s32 $0x0;
	s20 =	sshll.u32 s6, $0x1;
	s6 =	sadd.s32 s21, s4  }
0x9e: {  	[timem:s8], [sflag:s22] =	dma.local [hbm:s6], s20  }
0x9f: {  	_ =	swait.ge [sflag:s22], s20  }
0xa0: {  	s5 =	ssub.s32 $0x0, s20;
	[sflag:s22] =	ssyncset.done $0x0  }
0xa1: {  	[sflag:s22] =	ssyncadd.s32 s5;
	_ =	sdelay $0x1  }
0xa2: {  	s23 =	simm.s32 $0x1B8B  }
0xa3: {  	_ =	swait.ge [sflag:s23], $0x1  }
0xa4: {  	[sflag:s23] =	ssyncset.done $0x0  }
0xa5: {  	s25 =	simm.s32 $0x1B8E;
	s24 =	sld [smem:$0x3FFE];
	[sflag:s23] =	ssyncadd.s32 $0xFFFFFFFF  }
0xa6: {  	s26 =	simm.s32 $execute0_lowered;
	[smem:$0x3FD2] =	sst s25  }
0xa7: {  	s6 =	sshll.u32 s26, $0x1;
	_ =	strace $0x80000046;
	[dreg:$0x1] =	wrdreg $0xFFFFFFFF  }
0xa8: {  	s28 =	simm.s32 $_size_execute0_lowered;
	s4 =	sadd.s32 s4, s6;
	[dreg:$0x0] =	wrdreg $0x0  }
0xa9: {  	s6 =	sshll.u32 s28, $0x1;
	[dreg:$0x2] =	wrdreg s4  }
0xaa: {  	[dreg:$0x3] =	wrdreg s6  }
0xab: {  	[dreg:$0x4] =	wrdreg $0xC0  }
0xac: {  	_ =	task [dreg:s8], $0x5FFFF  }
0xad: {  	[dreg:$0x1] =	wrdreg $0xFFFFFFFF  }
0xae: {  	[dreg:$0x0] =	wrdreg $0x60  }
0xaf: {  	[dreg:$0x2] =	wrdreg s2  }
0xb0: {  	[dreg:$0x3] =	wrdreg s18  }
0xb1: {  	[dreg:$0x4] =	wrdreg s24  }
0xb2: {  	[dreg:$0x5] =	wrdreg $0x9  }
0xb3: {  	_ =	task.clear_ibuf [dreg:s8], $0x6FFFF;
	_ =	strace $0x90000046  }
0xb4: {  	s29 =	simm.s32 $0x9;
	_ =	strace $0x80000048  }
0xb5: {  	_ =	swait.ge [sflag:s29], $0x1  }
0xb6: {  	[sflag:s29] =	ssyncadd.s32 $0xFFFFFFFF  }
0xb7: {  	_ =	strace $0x90000048  }
0xb8: {  	_ =	sfence  }
0xb9: {  	s30 =	sld [smem:$0x0];
	_ =	sdelay $0x2  }
0xba: {  	s31 =	sshll.u32 s1, $0xD;
	s1 =	sshrl.u32 s1, $0x2  }
0xbb: {  	s3 =	sand.u32 $0x4000, s31;
	s1 =	sadd.s32 s1, s30  }
0xbc: {  	s0 =	sor.u32 s3, s0;
	s1 =	sshll.u32 s1, $0x11  }
0xbd: {  	s0 =	sor.u32 s1, s0  }
0xbe: {  	s0 =	sadd.s32 $0x8F2B, s0  }
0xbf: {  	[sflag:s0] =	ssyncadd.remote.s32 $0x1  }
0xc0: {  	_ =	sfence.sel $0xFFFF  }
0xc1: {  	[dreg:$0x0] =	wrdreg $0xFFFFFFFF;
	(pc) =	sbr.abs _section_cstart, $3  }
0xc2: {  	[dreg:$0x1] =	wrdreg $0xFFFFFFFF  }
0xc3: {  	_ =	task.clear_ibuf [dreg:s8], $0x2FFFF;
	_ =	strace $0x9FFFFFFF  }
0xc4: {  	(tm) =	ssettm $0x7FFFFFFF  }
0xc5: {  	_ =	shalt  }
tec
execute0_lowered:
.L_overlay_start_1:
0x0: {  	(tag) =	ssettag $0x1  }
0x1: {  	s1 =	rddreg [dreg:$0x0]  }
0x2: {  	s2 =	rddreg [dreg:$0x1]  }
0x3: {  	s6 =	rddreg [dreg:$0x2]  }
0x4: {  	s4 =	srdreg.scid;
	s0 =	rddreg [dreg:$0x3];
	s3 =	simm.s32 $0x0  }
0x5: {  	s9 =	simm.s32 $0x2;
	s10 =	simm.s32 $0x180;
	s5 =	sand.u32 $0x1, s4  }
0x6: {  	s11 =	simm.s32 $0x1;
	s12 =	simm.s32 $0xC180;
	s7 =	ssub.s32 $0x2, s5  }
0x7: {  	s13 =	simm.s32 $0x0;
	[smem:$0x7FF] =	sst s3;
	s8 =	sshrl.u32 s7, $0x1  }
0x8: {  	s4 =	stileid.u32;
	s6 =	sadd.s32 $0x1A00, s6;
	s8 =	ssub.s32 s7, s8  }
0x9: {  	_ =	strace $0x80000047;
	s7 =	sshll.u32 s4, $0x1;
	s8 =	smax.u32 s8, $0x1  }
.LBB2_1:
0xa: {  	s14 =	simm.s32 $0x0  }
.LBB2_2:
0xb: {  	s15 =	sshll.u32 s14, $0x5  }
0xc: {  	s15 =	sor.u32 s15, s7  }
0xd: {  	s15 =	sor.u32 s5, s15  }
0xe: {  	s16 =	smul.u32 $0x30, s15;
	_ =	sdelay $0x1  }
0xf: {  	s17 =	simm.s32 $0x0;
	s16 =	sadd.s32 s2, s16  }
0x10: {  	[tilespmem:s17], [sflag:$0x2] =	stream.linear.gather [hbm4b:s16+s17], $0x180, $0x38;
	[tilespmem:$0xE180] =	vst v63  }
0x11: {  	_ =	swait.ge [sflag:s9], $0x180  }
0x12: {  	[sflag:s9] =	ssyncset.done $0x0  }
0x13: {  	[sflag:s9] =	ssyncadd.s32 $0xFFFFFE80  }
0x14: {  	[tilespmem:s10], [sflag:$0x1] =	stream.indirect.gather [hbm4b:s1+s10], $0x80, s17, s10, $0xb8;
	[tilespmem:$0xE180] =	vst v63  }
0x15: {  	_ =	swait.ge [sflag:s11], $0xC000  }
0x16: {  	[sflag:s11] =	ssyncset.done $0x0  }
0x17: {  	s16 =	simm.s32 $0x300;
	[sflag:s11] =	ssyncadd.s32 $0xFFFF4000  }
0x18: {  	v0 =	vld [tilespmem:s16+$0xFFFFFE80]  }
0x19: {  	v1 =	vld [tilespmem:s16+$0xFFFFFF00];
	_ =	sdelay $0x1  }
0x1a: {  	v2 =	vld [tilespmem:s16+$0xFFFFFF80];
	_ =	sdelay $0x1  }
0x1b: {  	v3 =	vld [tilespmem:s16+$0x0]  }
0x1c: {  	v0 =	vadd.f32 v1, v0  }
0x1d: {  	v1 =	vld [tilespmem:s16+$0x80]  }
0x1e: {  	v0 =	vadd.f32 v2, v0  }
0x1f: {  	v2 =	vld [tilespmem:s16+$0x100]  }
0x20: {  	v0 =	vadd.f32 v3, v0;
	_ =	sdelay $0x1  }
0x21: {  	v0 =	vadd.f32 v1, v0;
	_ =	sdelay $0x1  }
0x22: {  	v0 =	vadd.f32 v2, v0  }
0x23: {  	s17 =	simm.s32 $0x0  }
0x24: {  	[tilespmem:s17+$0xC180] =	vst v0  }
0x25: {  	v0 =	vld [tilespmem:s16+$0xFFFFFE90]  }
0x26: {  	v1 =	vld [tilespmem:s16+$0xFFFFFF10];
	_ =	sdelay $0x1  }
0x27: {  	v2 =	vld [tilespmem:s16+$0xFFFFFF90];
	_ =	sdelay $0x1  }
0x28: {  	v3 =	vld [tilespmem:s16+$0x10]  }
0x29: {  	v0 =	vadd.f32 v1, v0  }
0x2a: {  	v1 =	vld [tilespmem:s16+$0x90]  }
0x2b: {  	v0 =	vadd.f32 v2, v0  }
0x2c: {  	v2 =	vld [tilespmem:s16+$0x110]  }
0x2d: {  	v0 =	vadd.f32 v3, v0;
	_ =	sdelay $0x1  }
0x2e: {  	v0 =	vadd.f32 v1, v0;
	_ =	sdelay $0x1  }
0x2f: {  	v0 =	vadd.f32 v2, v0;
	_ =	sdelay $0x1  }
0x30: {  	[tilespmem:s17+$0xC190] =	vst v0  }
0x31: {  	v0 =	vld [tilespmem:s16+$0xFFFFFEA0]  }
0x32: {  	v1 =	vld [tilespmem:s16+$0xFFFFFF20];
	_ =	sdelay $0x1  }
0x33: {  	v2 =	vld [tilespmem:s16+$0xFFFFFFA0];
	_ =	sdelay $0x1  }
0x34: {  	v3 =	vld [tilespmem:s16+$0x20]  }
0x35: {  	v0 =	vadd.f32 v1, v0  }
0x36: {  	v1 =	vld [tilespmem:s16+$0xA0]  }
0x37: {  	v0 =	vadd.f32 v2, v0  }
0x38: {  	v2 =	vld [tilespmem:s16+$0x120]  }
0x39: {  	v0 =	vadd.f32 v3, v0;
	_ =	sdelay $0x1  }
0x3a: {  	v0 =	vadd.f32 v1, v0;
	_ =	sdelay $0x1  }
0x3b: {  	v0 =	vadd.f32 v2, v0;
	_ =	sdelay $0x1  }
0x3c: {  	[tilespmem:s17+$0xC1A0] =	vst v0  }
0x3d: {  	v0 =	vld [tilespmem:s16+$0xFFFFFEB0]  }
0x3e: {  	v1 =	vld [tilespmem:s16+$0xFFFFFF30];
	_ =	sdelay $0x1  }
0x3f: {  	v2 =	vld [tilespmem:s16+$0xFFFFFFB0];
	_ =	sdelay $0x1  }
0x40: {  	v3 =	vld [tilespmem:s16+$0x30]  }
0x41: {  	v0 =	vadd.f32 v1, v0  }
0x42: {  	v1 =	vld [tilespmem:s16+$0xB0]  }
0x43: {  	v0 =	vadd.f32 v2, v0  }
0x44: {  	v2 =	vld [tilespmem:s16+$0x130]  }
0x45: {  	v0 =	vadd.f32 v3, v0;
	_ =	sdelay $0x1  }
0x46: {  	v0 =	vadd.f32 v1, v0;
	_ =	sdelay $0x1  }
0x47: {  	v0 =	vadd.f32 v2, v0;
	_ =	sdelay $0x1  }
0x48: {  	[tilespmem:s17+$0xC1B0] =	vst v0  }
0x49: {  	v0 =	vld [tilespmem:s16+$0xFFFFFEC0]  }
0x4a: {  	v1 =	vld [tilespmem:s16+$0xFFFFFF40];
	_ =	sdelay $0x1  }
0x4b: {  	v2 =	vld [tilespmem:s16+$0xFFFFFFC0];
	_ =	sdelay $0x1  }
0x4c: {  	v3 =	vld [tilespmem:s16+$0x40]  }
0x4d: {  	v0 =	vadd.f32 v1, v0  }
0x4e: {  	v1 =	vld [tilespmem:s16+$0xC0]  }
0x4f: {  	v0 =	vadd.f32 v2, v0  }
0x50: {  	v2 =	vld [tilespmem:s16+$0x140]  }
0x51: {  	v0 =	vadd.f32 v3, v0;
	_ =	sdelay $0x1  }
0x52: {  	v0 =	vadd.f32 v1, v0;
	_ =	sdelay $0x1  }
0x53: {  	v0 =	vadd.f32 v2, v0;
	_ =	sdelay $0x1  }
0x54: {  	[tilespmem:s17+$0xC1C0] =	vst v0  }
0x55: {  	v0 =	vld [tilespmem:s16+$0xFFFFFED0]  }
0x56: {  	v1 =	vld [tilespmem:s16+$0xFFFFFF50];
	_ =	sdelay $0x1  }
0x57: {  	v2 =	vld [tilespmem:s16+$0xFFFFFFD0];
	_ =	sdelay $0x1  }
0x58: {  	v3 =	vld [tilespmem:s16+$0x50]  }
0x59: {  	v0 =	vadd.f32 v1, v0  }
0x5a: {  	v1 =	vld [tilespmem:s16+$0xD0]  }
0x5b: {  	v0 =	vadd.f32 v2, v0  }
0x5c: {  	v2 =	vld [tilespmem:s16+$0x150]  }
0x5d: {  	v0 =	vadd.f32 v3, v0;
	_ =	sdelay $0x1  }
0x5e: {  	v0 =	vadd.f32 v1, v0;
	_ =	sdelay $0x1  }
0x5f: {  	v0 =	vadd.f32 v2, v0;
	_ =	sdelay $0x1  }
0x60: {  	[tilespmem:s17+$0xC1D0] =	vst v0  }
0x61: {  	v0 =	vld [tilespmem:s16+$0xFFFFFEE0]  }
0x62: {  	v1 =	vld [tilespmem:s16+$0xFFFFFF60];
	_ =	sdelay $0x1  }
0x63: {  	v2 =	vld [tilespmem:s16+$0xFFFFFFE0];
	_ =	sdelay $0x1  }
0x64: {  	v3 =	vld [tilespmem:s16+$0x60]  }
0x65: {  	v0 =	vadd.f32 v1, v0  }
0x66: {  	v1 =	vld [tilespmem:s16+$0xE0]  }
0x67: {  	v0 =	vadd.f32 v2, v0  }
0x68: {  	v2 =	vld [tilespmem:s16+$0x160]  }
0x69: {  	v0 =	vadd.f32 v3, v0;
	_ =	sdelay $0x1  }
0x6a: {  	v0 =	vadd.f32 v1, v0;
	_ =	sdelay $0x1  }
0x6b: {  	v0 =	vadd.f32 v2, v0;
	_ =	sdelay $0x1  }
0x6c: {  	[tilespmem:s17+$0xC1E0] =	vst v0  }
0x6d: {  	v4 =	vld [tilespmem:s16+$0xFFFFFEF0]  }
0x6e: {  	v5 =	vld [tilespmem:s16+$0xFFFFFF70];
	_ =	sdelay $0x1  }
0x6f: {  	v3 =	vld [tilespmem:s16+$0xFFFFFFF0]  }
0x70: {  	v2 =	vld [tilespmem:s16+$0x70]  }
0x71: {  	v0 =	vld [tilespmem:s16+$0xF0]  }
0x72: {  	s18 =	simm.s32 $0x200;
	v1 =	vld [tilespmem:s16+$0x170];
	v4 =	vadd.f32 v5, v4  }
.LBB2_3:
0x73: {  	p0 =	sne.s32 s18, $0x7E00  }
0x74: {  	s16 =	sadd.s32 $0x300, s16;
	s19 =	smov.u32 s18;
	s18 =	sadd.s32 $0x200, s18;
	v3 =	vadd.f32 v3, v4  }
0x75: {  	_ = 	snop  }
0x76: {  	v2 =	vadd.f32 v2, v3;
	_ =	sdelay $0x1  }
0x77: {  	v0 =	vadd.f32 v0, v2;
	_ =	sdelay $0x1  }
0x78: {  	v0 =	vadd.f32 v1, v0;
	_ =	sdelay $0x1  }
0x79: {  	[tilespmem:s17+$0xC1F0] =	vst v0  }
0x7a: {  	v0 =	vld [tilespmem:s16+$0xFFFFFE80]  }
0x7b: {  	v1 =	vld [tilespmem:s16+$0xFFFFFF00]  }
0x7c: {  	v2 =	vld [tilespmem:s16+$0xFFFFFF80];
	_ =	sdelay $0x2  }
0x7d: {  	v3 =	vld [tilespmem:s16+$0x0]  }
0x7e: {  	v0 =	vadd.f32 v1, v0  }
0x7f: {  	v1 =	vld [tilespmem:s16+$0x80]  }
0x80: {  	v0 =	vadd.f32 v2, v0  }
0x81: {  	v2 =	vld [tilespmem:s16+$0x100]  }
0x82: {  	v0 =	vadd.f32 v3, v0;
	_ =	sdelay $0x1  }
0x83: {  	v0 =	vadd.f32 v1, v0;
	_ =	sdelay $0x1  }
0x84: {  	v0 =	vadd.f32 v2, v0  }
0x85: {  	s17 =	sshra.s32 s19, $0x2  }
0x86: {  	[tilespmem:s17+$0xC180] =	vst v0  }
0x87: {  	v0 =	vld [tilespmem:s16+$0xFFFFFE90]  }
0x88: {  	v1 =	vld [tilespmem:s16+$0xFFFFFF10];
	_ =	sdelay $0x1  }
0x89: {  	v2 =	vld [tilespmem:s16+$0xFFFFFF90];
	_ =	sdelay $0x1  }
0x8a: {  	v3 =	vld [tilespmem:s16+$0x10]  }
0x8b: {  	v0 =	vadd.f32 v1, v0  }
0x8c: {  	v1 =	vld [tilespmem:s16+$0x90]  }
0x8d: {  	v0 =	vadd.f32 v2, v0  }
0x8e: {  	v2 =	vld [tilespmem:s16+$0x110]  }
0x8f: {  	v0 =	vadd.f32 v3, v0;
	_ =	sdelay $0x1  }
0x90: {  	v0 =	vadd.f32 v1, v0;
	_ =	sdelay $0x1  }
0x91: {  	v0 =	vadd.f32 v2, v0;
	_ =	sdelay $0x1  }
0x92: {  	[tilespmem:s17+$0xC190] =	vst v0  }
0x93: {  	v0 =	vld [tilespmem:s16+$0xFFFFFEA0]  }
0x94: {  	v1 =	vld [tilespmem:s16+$0xFFFFFF20];
	_ =	sdelay $0x1  }
0x95: {  	v2 =	vld [tilespmem:s16+$0xFFFFFFA0];
	_ =	sdelay $0x1  }
0x96: {  	v3 =	vld [tilespmem:s16+$0x20]  }
0x97: {  	v0 =	vadd.f32 v1, v0  }
0x98: {  	v1 =	vld [tilespmem:s16+$0xA0]  }
0x99: {  	v0 =	vadd.f32 v2, v0  }
0x9a: {  	v2 =	vld [tilespmem:s16+$0x120]  }
0x9b: {  	v0 =	vadd.f32 v3, v0;
	_ =	sdelay $0x1  }
0x9c: {  	v0 =	vadd.f32 v1, v0;
	_ =	sdelay $0x1  }
0x9d: {  	v0 =	vadd.f32 v2, v0;
	_ =	sdelay $0x1  }
0x9e: {  	[tilespmem:s17+$0xC1A0] =	vst v0  }
0x9f: {  	v0 =	vld [tilespmem:s16+$0xFFFFFEB0]  }
0xa0: {  	v1 =	vld [tilespmem:s16+$0xFFFFFF30];
	_ =	sdelay $0x1  }
0xa1: {  	v2 =	vld [tilespmem:s16+$0xFFFFFFB0];
	_ =	sdelay $0x1  }
0xa2: {  	v3 =	vld [tilespmem:s16+$0x30]  }
0xa3: {  	v0 =	vadd.f32 v1, v0  }
0xa4: {  	v1 =	vld [tilespmem:s16+$0xB0]  }
0xa5: {  	v0 =	vadd.f32 v2, v0  }
0xa6: {  	v2 =	vld [tilespmem:s16+$0x130]  }
0xa7: {  	v0 =	vadd.f32 v3, v0;
	_ =	sdelay $0x1  }
0xa8: {  	v0 =	vadd.f32 v1, v0;
	_ =	sdelay $0x1  }
0xa9: {  	v0 =	vadd.f32 v2, v0;
	_ =	sdelay $0x1  }
0xaa: {  	[tilespmem:s17+$0xC1B0] =	vst v0  }
0xab: {  	v0 =	vld [tilespmem:s16+$0xFFFFFEC0]  }
0xac: {  	v1 =	vld [tilespmem:s16+$0xFFFFFF40];
	_ =	sdelay $0x1  }
0xad: {  	v2 =	vld [tilespmem:s16+$0xFFFFFFC0];
	_ =	sdelay $0x1  }
0xae: {  	v3 =	vld [tilespmem:s16+$0x40]  }
0xaf: {  	v0 =	vadd.f32 v1, v0  }
0xb0: {  	v1 =	vld [tilespmem:s16+$0xC0]  }
0xb1: {  	v0 =	vadd.f32 v2, v0  }
0xb2: {  	v2 =	vld [tilespmem:s16+$0x140]  }
0xb3: {  	v0 =	vadd.f32 v3, v0;
	_ =	sdelay $0x1  }
0xb4: {  	v0 =	vadd.f32 v1, v0;
	_ =	sdelay $0x1  }
0xb5: {  	v0 =	vadd.f32 v2, v0;
	_ =	sdelay $0x1  }
0xb6: {  	[tilespmem:s17+$0xC1C0] =	vst v0  }
0xb7: {  	v0 =	vld [tilespmem:s16+$0xFFFFFED0]  }
0xb8: {  	v1 =	vld [tilespmem:s16+$0xFFFFFF50]  }
0xb9: {  	v2 =	vld [tilespmem:s16+$0xFFFFFFD0]  }
0xba: {  	v3 =	vld [tilespmem:s16+$0x50]  }
0xbb: {  	v4 =	vld [tilespmem:s16+$0xD0]  }
0xbc: {  	v5 =	vld [tilespmem:s16+$0x150]  }
0xbd: {  	v0 =	vadd.f32 v1, v0;
	_ =	sdelay $0x1  }
0xbe: {  	v0 =	vadd.f32 v2, v0;
	_ =	sdelay $0x1  }
0xbf: {  	v0 =	vadd.f32 v3, v0;
	_ =	sdelay $0x1  }
0xc0: {  	v0 =	vadd.f32 v4, v0;
	_ =	sdelay $0x1  }
0xc1: {  	v0 =	vadd.f32 v5, v0;
	_ =	sdelay $0x1  }
0xc2: {  	[tilespmem:s17+$0xC1D0] =	vst v0  }
0xc3: {  	v0 =	vld [tilespmem:s16+$0xFFFFFEE0]  }
0xc4: {  	v1 =	vld [tilespmem:s16+$0xFFFFFF60]  }
0xc5: {  	v2 =	vld [tilespmem:s16+$0xFFFFFFE0]  }
0xc6: {  	v3 =	vld [tilespmem:s16+$0x60]  }
0xc7: {  	v4 =	vld [tilespmem:s16+$0xE0]  }
0xc8: {  	v5 =	vld [tilespmem:s16+$0x160]  }
0xc9: {  	v0 =	vadd.f32 v1, v0;
	_ =	sdelay $0x1  }
0xca: {  	v0 =	vadd.f32 v2, v0;
	_ =	sdelay $0x1  }
0xcb: {  	v0 =	vadd.f32 v3, v0;
	_ =	sdelay $0x1  }
0xcc: {  	v0 =	vadd.f32 v4, v0;
	_ =	sdelay $0x1  }
0xcd: {  	v0 =	vadd.f32 v5, v0;
	_ =	sdelay $0x1  }
0xce: {  	[tilespmem:s17+$0xC1E0] =	vst v0  }
0xcf: {  	v4 =	vld [tilespmem:s16+$0xFFFFFEF0]  }
0xd0: {  	v5 =	vld [tilespmem:s16+$0xFFFFFF70]  }
.Ltmp0:
0xd1: {  	v3 =	vld [tilespmem:s16+$0xFFFFFFF0];
	(pc) =	sbr.rel @p0 .LBB2_3-.Ltmp0, $4  }
0xd2: {  	v2 =	vld [tilespmem:s16+$0x70]  }
0xd3: {  	v0 =	vld [tilespmem:s16+$0xF0]  }
0xd4: {  	v1 =	vld [tilespmem:s16+$0x170]  }
0xd5: {  	v4 =	vadd.f32 v5, v4  }
0xd6: {  	_ = 	snop  }
0xd7: {  	v3 =	vadd.f32 v3, v4;
	_ =	sdelay $0x1  }
0xd8: {  	v2 =	vadd.f32 v2, v3;
	_ =	sdelay $0x1  }
0xd9: {  	v0 =	vadd.f32 v0, v2;
	_ =	sdelay $0x1  }
0xda: {  	s14 =	sadd.s32 $0x1, s14;
	v0 =	vadd.f32 v1, v0  }
0xdb: {  	s15 =	sshll.u32 s15, $0xA;
	p0 =	sne.s32 s14, $0x31  }
.Ltmp1:
0xdc: {  	s15 =	sadd.s32 s6, s15;
	[tilespmem:s17+$0xC1F0] =	vst v0;
	(pc) =	sbr.rel @p0 .LBB2_2-.Ltmp1, $4  }
0xdd: {  	[hbm4b:s15+s3] =	stream.linear.scatter [tilespmem:s12], [sflag:$0x2], $0x2000, $0x38;
	[tilespmem:$0xE180] =	vst v63  }
0xde: {  	_ =	swait.ge [sflag:s9], $0x2000  }
0xdf: {  	[sflag:s9] =	ssyncset.done $0x0  }
0xe0: {  	[sflag:s9] =	ssyncadd.s32 $0xFFFFE000  }
0xe1: {  	s13 =	sadd.s32 $0x1, s13  }
0xe2: {  	p0 =	sne.s32 s13, s8  }
.Ltmp2:
0xe3: {  	_ = 	snop;
	(pc) =	sbr.rel @p0 .LBB2_1-.Ltmp2, $1  }
0xe4: {  	_ =	sdelay $0x3  }
0xe5: {  	_ =	sfence.sel $0x180000  }
0xe6: {  	[bflag:$0x0] =	sbarrier.arrive $0xFFFF  }
0xe7: {  	p0 =	sne.s32 s4, $0x0;
	_ =	strace $0x90000047  }
0xe8: {  	s0 =	sadd.s32 @!p0 $0x100000, s0;
	[bflag:$0x2] =	sbarrier.arrive $0xFFFF  }
0xe9: {  	[sflag:s0] =	ssyncadd.tile.s32 @!p0 $0x1;
	_ =	shalt  }
.Lfunc_end2:
_tile_overlayer_lowered:
.L_overlay_start_2:
0xea: {  	(tag) =	ssettag $0x2  }
0xeb: {  	s0 =	rddreg [dreg:$0x0];
	s2 =	stileid.u32  }
0xec: {  	s1 =	rddreg [dreg:$0x1];
	p0 =	sne.s32 s2, $0x0  }
0xed: {  	s3 =	rddreg [dreg:$0x2];
	[bflag:$0x3] =	sbarrier.arrive $0xFFFF;
	s2 =	simm.s32 @!p0 $0x1C02  }
0xee: {  	[timem:s3], [sflag:s2] =	dma.local @!p0 [hbm:s0], s1  }
0xef: {  	s0 =	simm.s32 @!p0 $0x2  }
0xf0: {  	_ =	swait.ge @!p0 [sflag:s0], s1  }
0xf1: {  	s1 =	ssub.s32 @!p0 $0x0, s1;
	[sflag:s0] =	ssyncset.done @!p0 $0x0  }
0xf2: {  	[sflag:s0] =	ssyncadd.s32 @!p0 s1  }
0xf3: {  	[bflag:$0x3] =	sbarrier.arrive $0xFFFF  }
0xf4: {  	_ =	shalt  }

// kernel: kernel.9.cloned.1.call-start
scs
__scs_entry_jumppad:
0x0: {  	(pc) =	sbr.rel $0x88, $3  }
0x1: {  	(tag) =	ssettag $0x0;
	lr =	simm.s32 $0x1  }
0x2: {  	[smem:$0x3F9A] =	sst lr;
	_ =	strace $0xD0000000  }
0x3: {  	_ = 	snop  }
0x4: {  	_ = 	snop  }
0x5: {  	_ = 	snop  }
0x6: {  	_ = 	snop  }
0x7: {  	_ = 	snop  }
__scs_overlays_trampoline_lowered:
0x8: {  	[smem:$0x3FA9] =	sst s0  }
0x9: {  	[smem:$0x3FAA] =	sst s1  }
0xa: {  	[smem:$0x3FAB] =	sst s2  }
0xb: {  	[smem:$0x3FAC] =	sst s3  }
0xc: {  	[smem:$0x3FAD] =	sst s4  }
0xd: {  	[smem:$0x3FAE] =	sst s5  }
0xe: {  	[smem:$0x3FAF] =	sst s6  }
0xf: {  	[smem:$0x3FB0] =	sst s7  }
0x10: {  	[smem:$0x3FB1] =	sst s8  }
0x11: {  	[smem:$0x3FB2] =	sst s9;
	s0 =	simm.s32 @!p0 $0x0  }
0x12: {  	s1 =	sld [smem:$0x3F98];
	s0 =	simm.s32 @p0 $0x1  }
0x13: {  	[smem:$0x3FB3] =	sst s0;
	s0 =	simm.s32 @!p1 $0x0  }
0x14: {  	s2 =	sld [smem:$0x3F97];
	s0 =	simm.s32 @p1 $0x1  }
0x15: {  	[smem:$0x3FB4] =	sst s0;
	s0 =	simm.s32 @!p2 $0x0  }
0x16: {  	s3 =	sld [smem:$0x3FDB];
	s0 =	simm.s32 @p2 $0x1  }
0x17: {  	s4 =	simm.s32 $0x1BF5;
	[smem:$0x3FB6] =	sst s0  }
0x18: {  	s0 =	sld [smem:$0x3F99];
	_ =	swait.ge [sflag:s4], $0x0  }
0x19: {  	s7 =	sld [smem:$0x3F9A]  }
0x1a: {  	s8 =	sadd.s32 $0xFFFFE003, lr  }
0x1b: {  	s9 =	sadd.s32 $0xFFFFFEF7, lr;
	s5 =	simm.s32 $0xFFFFFFFF;
	p2 =	slt.u32 s8, $0xFFFFF086  }
0x1c: {  	p1 =	slt.u32 s9, $0xF7A;
	s5 =	simm.s32 @!p2 $0x0  }
0x1d: {  	s5 =	simm.s32 @p1 $0x1;
	p0 =	seq.s32 s7, s2  }
0x1e: {  	s7 =	smul.u32 @!p0 $0xF7A, s2;
	p2 =	seq.s32 @!p0 s5, $0x0  }
0x1f: {  	s9 =	smul.u32 $0xF7A, s1;
	s8 =	simm.s32 @!p0 $0x1BF5;
	p2 =	por !p2, p0  }
0x20: {  	[sflag:s8] =	ssyncset.s32 @!p0 $0xFFFFF086;
	s6 =	sadd.s32 @!p0 s3, s7;
	s7 =	simm.s32 @!p0 $0x108  }
0x21: {  	s3 =	sadd.s32 s3, s9;
	s6 =	sadd.s32 @!p0 $0x88, s6;
	s7 =	simm.s32 @p2 $0x1082  }
0x22: {  	[simem:s7], [sflag:s8] =	dma.local @!p0 [hbm:s6], $0xF7A  }
0x23: {  	s9 =	sor.u32 $0xD0000000, s2;
	s6 =	simm.s32 $0x108;
	_ =	swait.ge @!p0 [sflag:s8], $0x0  }
0x24: {  	s3 =	sadd.s32 $0x88, s3;
	s6 =	simm.s32 @!p1 $0x1082;
	[sflag:s4] =	ssyncset.s32 $0xFFFFF086  }
0x25: {  	[simem:s6], [sflag:s4] =	dma.local [hbm:s3], $0xF7A  }
0x26: {  	[smem:$0x3F9A] =	sst s1;
	(tag) =	ssettag s2;
	_ =	strace s9  }
0x27: {  	s1 =	sld [smem:$0x3FAA]  }
0x28: {  	s2 =	sld [smem:$0x3FAB]  }
0x29: {  	s4 =	sld [smem:$0x3FAD]  }
0x2a: {  	p0 =	seq.s32 s5, $0x0;
	s5 =	sld [smem:$0x3FAE]  }
0x2b: {  	s6 =	sld [smem:$0x3FAF]  }
0x2c: {  	s7 =	sld [smem:$0x3FB0]  }
0x2d: {  	s3 =	simm.s32 $0x108;
	s8 =	sld [smem:$0x3FB1]  }
0x2e: {  	s3 =	simm.s32 @!p0 $0x1082;
	s9 =	sld [smem:$0x3FB2]  }
0x2f: {  	lr =	sadd.s32 s0, s3;
	s0 =	sld [smem:$0x3FA9]  }
0x30: {  	s3 =	sld [smem:$0x3FAC]  }
0x31: {  	[smem:$0x3FB5] =	sst s10  }
0x32: {  	s10 =	sld [smem:$0x3FB3];
	_ =	sdelay $0x3  }
0x33: {  	p0 =	seq.s32 s10, $0x1;
	s10 =	sld [smem:$0x3FB5];
	_ =	sdelay $0x3  }
0x34: {  	[smem:$0x3FB5] =	sst s10  }
0x35: {  	s10 =	sld [smem:$0x3FB4];
	_ =	sdelay $0x3  }
0x36: {  	p1 =	seq.s32 s10, $0x1;
	s10 =	sld [smem:$0x3FB5];
	_ =	sdelay $0x3  }
0x37: {  	[smem:$0x3FB5] =	sst s10  }
0x38: {  	s10 =	sld [smem:$0x3FB6]  }
0x39: {  	_ = 	snop;
	(pc) =	sbr.ind lr, $3  }
0x3a: {  	_ = 	snop  }
0x3b: {  	_ = 	snop  }
0x3c: {  	p2 =	seq.s32 s10, $0x1;
	s10 =	sld [smem:$0x3FB5]  }
0x3d: {  	_ =	shalt  }
0x3e: {  	_ =	shalt  }
0x3f: {  	_ =	shalt  }
0x40: {  	_ =	shalt  }
0x41: {  	_ =	shalt  }
0x42: {  	_ =	shalt  }
0x43: {  	_ =	shalt  }
0x44: {  	_ =	shalt  }
0x45: {  	_ =	shalt  }
0x46: {  	_ =	shalt  }
0x47: {  	_ =	shalt  }
0x48: {  	_ =	shalt  }
0x49: {  	_ =	shalt  }
0x4a: {  	_ =	shalt  }
0x4b: {  	_ =	shalt  }
0x4c: {  	_ =	shalt  }
0x4d: {  	_ =	shalt  }
0x4e: {  	_ =	shalt  }
0x4f: {  	_ =	shalt  }
0x50: {  	_ =	shalt  }
0x51: {  	_ =	shalt  }
0x52: {  	_ =	shalt  }
0x53: {  	_ =	shalt  }
0x54: {  	_ =	shalt  }
0x55: {  	_ =	shalt  }
0x56: {  	_ =	shalt  }
0x57: {  	_ =	shalt  }
0x58: {  	_ =	shalt  }
0x59: {  	_ =	shalt  }
0x5a: {  	_ =	shalt  }
0x5b: {  	_ =	shalt  }
0x5c: {  	_ =	shalt  }
0x5d: {  	_ =	shalt  }
0x5e: {  	_ =	shalt  }
0x5f: {  	_ =	shalt  }
0x60: {  	_ =	shalt  }
0x61: {  	_ =	shalt  }
0x62: {  	_ =	shalt  }
0x63: {  	_ =	shalt  }
0x64: {  	_ =	shalt  }
0x65: {  	_ =	shalt  }
0x66: {  	_ =	shalt  }
0x67: {  	_ =	shalt  }
0x68: {  	_ =	shalt  }
0x69: {  	_ =	shalt  }
0x6a: {  	_ =	shalt  }
0x6b: {  	_ =	shalt  }
0x6c: {  	_ =	shalt  }
0x6d: {  	_ =	shalt  }
0x6e: {  	_ =	shalt  }
0x6f: {  	_ =	shalt  }
0x70: {  	_ =	shalt  }
0x71: {  	_ =	shalt  }
0x72: {  	_ =	shalt  }
0x73: {  	_ =	shalt  }
0x74: {  	_ =	shalt  }
0x75: {  	_ =	shalt  }
0x76: {  	_ =	shalt  }
0x77: {  	_ =	shalt  }
0x78: {  	_ =	shalt  }
0x79: {  	_ =	shalt  }
0x7a: {  	_ =	shalt  }
0x7b: {  	_ =	shalt  }
0x7c: {  	_ =	shalt  }
0x7d: {  	_ =	shalt  }
0x7e: {  	_ =	shalt  }
0x7f: {  	_ =	shalt  }
0x80: {  	_ =	shalt  }
0x81: {  	_ =	shalt  }
0x82: {  	_ =	shalt  }
0x83: {  	_ =	shalt  }
0x84: {  	_ =	shalt  }
0x85: {  	_ =	shalt  }
0x86: {  	_ =	shalt  }
0x87: {  	_ =	shalt  }
.Lfunc_end0:
.L_simem_size_0:
called_computation.1_lowered:
.L_overlay_start_0:
0x88: {  	s2 =	sld [smem:$0x3FD9]  }
0x89: {  	s3 =	sld [smem:$0x3FFE];
	_ =	sdelay $0x1  }
0x8a: {  	s1 =	srdreg.scid  }
0x8b: {  	s0 =	sand.u32 $0x1, s1  }
0x8c: {  	s17 =	sshll.u32 s0, $0xA;
	s2 =	sadd.s32 s3, s2  }
0x8d: {  	s2 =	sadd.s32 s2, s17  }
0x8e: {  	[smem:$0x3FC1] =	sst s2  }
0x8f: {  	_ = 	snop  }
0x90: {  	s2 =	sld [smem:$0x3FC9];
	(tm) =	ssettm $0x1  }
0x91: {  	s18 =	sld [smem:$0x3FFB];
	_ =	sdelay $0x3  }
0x92: {  	_ =	strace s18  }
0x93: {  	s3 =	sld [smem:$0x3FFC];
	_ =	sdelay $0x3  }
0x94: {  	_ =	strace s3  }
0x95: {  	s3 =	sld [smem:$0x3FFD];
	_ =	sdelay $0x3  }
0x96: {  	_ =	strace s3  }
0x97: {  	_ =	strace $0x8FFFFFFF  }
0x98: {  	s19 =	sld [smem:$0x3FDB];
	_ =	sdelay $0x1  }
0x99: {  	s4 =	simm.s32 $_scs_section_size  }
0x9a: {  	s5 =	simm.s32 $_size__tile_overlayer_lowered;
	s6 =	simm.s32 $_tile_overlayer_lowered  }
0x9b: {  	s22 =	simm.s32 $0x1BFF;
	s21 =	sshll.u32 s6, $0x1;
	s3 =	sadd.s32 s4, s19  }
0x9c: {  	s7 =	simm.s32 $0x0;
	s20 =	sshll.u32 s5, $0x1;
	s5 =	sadd.s32 s21, s3  }
0x9d: {  	[timem:s7], [sflag:s22] =	dma.local [hbm:s5], s20  }
0x9e: {  	_ =	swait.ge [sflag:s22], s20  }
0x9f: {  	s4 =	ssub.s32 $0x0, s20;
	[sflag:s22] =	ssyncset.done $0x0  }
0xa0: {  	[sflag:s22] =	ssyncadd.s32 s4;
	_ =	sdelay $0x1  }
0xa1: {  	s23 =	simm.s32 $0x1B8B  }
0xa2: {  	_ =	swait.ge [sflag:s23], $0x1  }
0xa3: {  	[sflag:s23] =	ssyncset.done $0x0  }
0xa4: {  	s25 =	simm.s32 $0x1B8E;
	s24 =	sld [smem:$0x3FFE];
	[sflag:s23] =	ssyncadd.s32 $0xFFFFFFFF  }
0xa5: {  	s26 =	simm.s32 $execute0_lowered;
	[smem:$0x3FD2] =	sst s25  }
0xa6: {  	s5 =	sshll.u32 s26, $0x1;
	_ =	strace $0x80000049;
	[dreg:$0x1] =	wrdreg $0xFFFFFFFF  }
0xa7: {  	s28 =	simm.s32 $_size_execute0_lowered;
	s3 =	sadd.s32 s3, s5;
	[dreg:$0x0] =	wrdreg $0x0  }
0xa8: {  	s5 =	sshll.u32 s28, $0x1;
	[dreg:$0x2] =	wrdreg s3  }
0xa9: {  	[dreg:$0x3] =	wrdreg s5  }
0xaa: {  	[dreg:$0x4] =	wrdreg $0xC0  }
0xab: {  	_ =	task [dreg:s7], $0x5FFFF  }
0xac: {  	[dreg:$0x1] =	wrdreg $0xFFFFFFFF  }
0xad: {  	[dreg:$0x0] =	wrdreg $0x60  }
0xae: {  	[dreg:$0x2] =	wrdreg s2  }
0xaf: {  	[dreg:$0x3] =	wrdreg s24  }
0xb0: {  	[dreg:$0x4] =	wrdreg $0x9  }
0xb1: {  	_ =	task.clear_ibuf [dreg:s7], $0x5FFFF;
	_ =	strace $0x90000049  }
0xb2: {  	s29 =	simm.s32 $0x9;
	_ =	strace $0x8000004B  }
0xb3: {  	_ =	swait.ge [sflag:s29], $0x1  }
0xb4: {  	[sflag:s29] =	ssyncadd.s32 $0xFFFFFFFF  }
0xb5: {  	_ =	strace $0x9000004B  }
0xb6: {  	_ =	sfence  }
0xb7: {  	s30 =	sld [smem:$0x0];
	_ =	sdelay $0x2  }
0xb8: {  	s31 =	sshll.u32 s1, $0xD;
	s1 =	sshrl.u32 s1, $0x2  }
0xb9: {  	s3 =	sand.u32 $0x4000, s31;
	s1 =	sadd.s32 s1, s30  }
0xba: {  	s0 =	sor.u32 s3, s0;
	s1 =	sshll.u32 s1, $0x11  }
0xbb: {  	s0 =	sor.u32 s1, s0  }
0xbc: {  	s0 =	sadd.s32 $0x8F2B, s0  }
0xbd: {  	[sflag:s0] =	ssyncadd.remote.s32 $0x1  }
0xbe: {  	_ =	sfence.sel $0xFFFF  }
0xbf: {  	[dreg:$0x0] =	wrdreg $0xFFFFFFFF;
	(pc) =	sbr.abs _section_cstart, $3  }
0xc0: {  	[dreg:$0x1] =	wrdreg $0xFFFFFFFF  }
0xc1: {  	_ =	task.clear_ibuf [dreg:s7], $0x2FFFF;
	_ =	strace $0x9FFFFFFF  }
0xc2: {  	(tm) =	ssettm $0x7FFFFFFF  }
0xc3: {  	_ =	shalt  }
tec
execute0_lowered:
.L_overlay_start_1:
0x0: {  	(tag) =	ssettag $0x1  }
0x1: {  	s1 =	rddreg [dreg:$0x0]  }
0x2: {  	s8 =	rddreg [dreg:$0x1]  }
0x3: {  	s0 =	rddreg [dreg:$0x2]  }
0x4: {  	s2 =	simm.s32 $0x0;
	s3 =	srdreg.scid;
	s4 =	stileid.u32  }
0x5: {  	s11 =	simm.s32 $0x2C0;
	s12 =	simm.s32 $0x2;
	s13 =	simm.s32 $0x140  }
0x6: {  	s14 =	simm.s32 $0x180;
	s15 =	simm.s32 $0x1;
	s16 =	simm.s32 $0x160  }
0x7: {  	s17 =	simm.s32 $0x300;
	s18 =	simm.s32 $0xB300;
	s3 =	sand.u32 $0x1, s3  }
0x8: {  	s19 =	simm.s32 $0x0;
	[smem:$0x7FF] =	sst s2;
	s9 =	ssub.s32 $0x2, s3  }
0x9: {  	s5 =	sadd.s32 $0x189A00, s8;
	s6 =	sadd.s32 $0x310400, s8;
	s10 =	sshrl.u32 s9, $0x1  }
0xa: {  	s7 =	sadd.s32 $0x32EE00, s8;
	s8 =	sadd.s32 $0x18EA00, s8;
	s10 =	ssub.s32 s9, s10  }
0xb: {  	_ =	strace $0x8000004A;
	s9 =	sshll.u32 s4, $0x1;
	s10 =	smax.u32 s10, $0x1  }
.LBB2_1:
0xc: {  	s20 =	simm.s32 $0x0  }
.LBB2_2:
0xd: {  	s21 =	sshll.u32 s20, $0x5  }
0xe: {  	s21 =	sor.u32 s21, s9  }
0xf: {  	s21 =	sor.u32 s3, s21  }
0x10: {  	s22 =	sshll.u32 s21, $0x2  }
0x11: {  	s23 =	simm.s32 $0x0;
	s22 =	sadd.s32 s1, s22  }
0x12: {  	[tilespmem:s11], [sflag:$0x2] =	stream.linear.gather [hbm4b:s22+s23], $0x20, $0x38;
	[tilespmem:$0xC300] =	vst v63  }
0x13: {  	s31 =	smul.u32 $0x28, s21;
	_ =	swait.ge [sflag:s12], $0x20  }
0x14: {  	[sflag:s12] =	ssyncset.done $0x0  }
0x15: {  	s22 =	sadd.s32 s5, s31;
	[sflag:s12] =	ssyncadd.s32 $0xFFFFFFE0  }
0x16: {  	[tilespmem:s23], [sflag:$0x2] =	stream.linear.gather [hbm4b:s22+s23], $0x140, $0x38;
	[tilespmem:$0xC300] =	vst v63  }
0x17: {  	_ =	swait.ge [sflag:s12], $0x140  }
0x18: {  	[sflag:s12] =	ssyncset.done $0x0  }
0x19: {  	[sflag:s12] =	ssyncadd.s32 $0xFFFFFEC0  }
0x1a: {  	[tilespmem:s14], [sflag:$0x1] =	stream.indirect.gather [hbm4b:s6+s13], $0x1, s23, s13, $0xb8;
	[tilespmem:$0xC300] =	vst v63  }
0x1b: {  	_ =	swait.ge [sflag:s15], $0x140  }
0x1c: {  	[sflag:s15] =	ssyncset.done $0x0  }
0x1d: {  	[sflag:s15] =	ssyncadd.s32 $0xFFFFFEC0  }
0x1e: {  	[tilespmem:s17], [sflag:$0x1] =	stream.indirect.gather [hbm4b:s7+s16], $0x80, s14, s16, $0xb8;
	[tilespmem:$0xC300] =	vst v63  }
0x1f: {  	_ =	swait.ge [sflag:s15], $0xB000  }
0x20: {  	[sflag:s15] =	ssyncset.done $0x0  }
0x21: {  	s22 =	simm.s32 $0x0;
	[sflag:s15] =	ssyncadd.s32 $0xFFFF5000  }
0x22: {  	s23 =	simm.s32 $0x580;
	v0 =	vld [tilespmem:s22+$0xA300]  }
0x23: {  	v1 =	vld [tilespmem:s23+$0xFFFFFD80];
	_ =	sdelay $0x1  }
0x24: {  	v2 =	vld [tilespmem:s23+$0xFFFFFE00];
	_ =	sdelay $0x1  }
0x25: {  	v3 =	vld [tilespmem:s23+$0xFFFFFE80]  }
0x26: {  	v0 =	vadd.f32 v1, v0  }
0x27: {  	v1 =	vld [tilespmem:s23+$0xFFFFFF00]  }
0x28: {  	v0 =	vadd.f32 v2, v0  }
0x29: {  	v2 =	vld [tilespmem:s23+$0xFFFFFF80]  }
0x2a: {  	v0 =	vadd.f32 v3, v0  }
0x2b: {  	v3 =	vld [tilespmem:s23+$0x0]  }
0x2c: {  	v0 =	vadd.f32 v1, v0  }
0x2d: {  	v1 =	vld [tilespmem:s23+$0x80]  }
0x2e: {  	v0 =	vadd.f32 v2, v0  }
0x2f: {  	v2 =	vld [tilespmem:s23+$0x100]  }
0x30: {  	v0 =	vadd.f32 v3, v0  }
0x31: {  	v3 =	vld [tilespmem:s23+$0x180]  }
0x32: {  	v0 =	vadd.f32 v1, v0  }
0x33: {  	v1 =	vld [tilespmem:s23+$0x200]  }
0x34: {  	v0 =	vadd.f32 v2, v0;
	_ =	sdelay $0x1  }
0x35: {  	v0 =	vadd.f32 v3, v0;
	_ =	sdelay $0x1  }
0x36: {  	v0 =	vadd.f32 v1, v0;
	_ =	sdelay $0x1  }
0x37: {  	[tilespmem:s22+$0xB300] =	vst v0;
	v0 =	vld [tilespmem:s22+$0xA310]  }
0x38: {  	v1 =	vld [tilespmem:s23+$0xFFFFFD90];
	_ =	sdelay $0x1  }
0x39: {  	v2 =	vld [tilespmem:s23+$0xFFFFFE10];
	_ =	sdelay $0x1  }
0x3a: {  	v3 =	vld [tilespmem:s23+$0xFFFFFE90]  }
0x3b: {  	v0 =	vadd.f32 v1, v0  }
0x3c: {  	v1 =	vld [tilespmem:s23+$0xFFFFFF10]  }
0x3d: {  	v0 =	vadd.f32 v2, v0  }
0x3e: {  	v2 =	vld [tilespmem:s23+$0xFFFFFF90]  }
0x3f: {  	v0 =	vadd.f32 v3, v0  }
0x40: {  	v3 =	vld [tilespmem:s23+$0x10]  }
0x41: {  	v0 =	vadd.f32 v1, v0  }
0x42: {  	v1 =	vld [tilespmem:s23+$0x90]  }
0x43: {  	v0 =	vadd.f32 v2, v0  }
0x44: {  	v2 =	vld [tilespmem:s23+$0x110]  }
0x45: {  	v0 =	vadd.f32 v3, v0  }
0x46: {  	v3 =	vld [tilespmem:s23+$0x190]  }
0x47: {  	v0 =	vadd.f32 v1, v0  }
0x48: {  	v1 =	vld [tilespmem:s23+$0x210]  }
0x49: {  	v0 =	vadd.f32 v2, v0;
	_ =	sdelay $0x1  }
0x4a: {  	v0 =	vadd.f32 v3, v0;
	_ =	sdelay $0x1  }
0x4b: {  	v0 =	vadd.f32 v1, v0;
	_ =	sdelay $0x1  }
0x4c: {  	[tilespmem:s22+$0xB310] =	vst v0;
	v0 =	vld [tilespmem:s22+$0xA320]  }
0x4d: {  	v1 =	vld [tilespmem:s23+$0xFFFFFDA0];
	_ =	sdelay $0x1  }
0x4e: {  	v2 =	vld [tilespmem:s23+$0xFFFFFE20];
	_ =	sdelay $0x1  }
0x4f: {  	v3 =	vld [tilespmem:s23+$0xFFFFFEA0]  }
0x50: {  	v0 =	vadd.f32 v1, v0  }
0x51: {  	v1 =	vld [tilespmem:s23+$0xFFFFFF20]  }
0x52: {  	v0 =	vadd.f32 v2, v0  }
0x53: {  	v2 =	vld [tilespmem:s23+$0xFFFFFFA0]  }
0x54: {  	v0 =	vadd.f32 v3, v0  }
0x55: {  	v3 =	vld [tilespmem:s23+$0x20]  }
0x56: {  	v0 =	vadd.f32 v1, v0  }
0x57: {  	v1 =	vld [tilespmem:s23+$0xA0]  }
0x58: {  	v0 =	vadd.f32 v2, v0  }
0x59: {  	v2 =	vld [tilespmem:s23+$0x120]  }
0x5a: {  	v0 =	vadd.f32 v3, v0  }
0x5b: {  	v3 =	vld [tilespmem:s23+$0x1A0]  }
0x5c: {  	v0 =	vadd.f32 v1, v0  }
0x5d: {  	v1 =	vld [tilespmem:s23+$0x220]  }
0x5e: {  	v0 =	vadd.f32 v2, v0;
	_ =	sdelay $0x1  }
0x5f: {  	v0 =	vadd.f32 v3, v0;
	_ =	sdelay $0x1  }
0x60: {  	v0 =	vadd.f32 v1, v0;
	_ =	sdelay $0x1  }
0x61: {  	[tilespmem:s22+$0xB320] =	vst v0;
	v0 =	vld [tilespmem:s22+$0xA330]  }
0x62: {  	v1 =	vld [tilespmem:s23+$0xFFFFFDB0];
	_ =	sdelay $0x1  }
0x63: {  	v2 =	vld [tilespmem:s23+$0xFFFFFE30];
	_ =	sdelay $0x1  }
0x64: {  	v3 =	vld [tilespmem:s23+$0xFFFFFEB0]  }
0x65: {  	v0 =	vadd.f32 v1, v0  }
0x66: {  	v1 =	vld [tilespmem:s23+$0xFFFFFF30]  }
0x67: {  	v0 =	vadd.f32 v2, v0  }
0x68: {  	v2 =	vld [tilespmem:s23+$0xFFFFFFB0]  }
0x69: {  	v0 =	vadd.f32 v3, v0  }
0x6a: {  	v3 =	vld [tilespmem:s23+$0x30]  }
0x6b: {  	v0 =	vadd.f32 v1, v0  }
0x6c: {  	v1 =	vld [tilespmem:s23+$0xB0]  }
0x6d: {  	v0 =	vadd.f32 v2, v0  }
0x6e: {  	v2 =	vld [tilespmem:s23+$0x130]  }
0x6f: {  	v0 =	vadd.f32 v3, v0  }
0x70: {  	v3 =	vld [tilespmem:s23+$0x1B0]  }
0x71: {  	v0 =	vadd.f32 v1, v0  }
0x72: {  	v1 =	vld [tilespmem:s23+$0x230]  }
0x73: {  	v0 =	vadd.f32 v2, v0;
	_ =	sdelay $0x1  }
0x74: {  	v0 =	vadd.f32 v3, v0;
	_ =	sdelay $0x1  }
0x75: {  	v0 =	vadd.f32 v1, v0;
	_ =	sdelay $0x1  }
0x76: {  	[tilespmem:s22+$0xB330] =	vst v0;
	v0 =	vld [tilespmem:s22+$0xA340]  }
0x77: {  	v1 =	vld [tilespmem:s23+$0xFFFFFDC0];
	_ =	sdelay $0x1  }
0x78: {  	v2 =	vld [tilespmem:s23+$0xFFFFFE40];
	_ =	sdelay $0x1  }
0x79: {  	v3 =	vld [tilespmem:s23+$0xFFFFFEC0]  }
0x7a: {  	v0 =	vadd.f32 v1, v0  }
0x7b: {  	v1 =	vld [tilespmem:s23+$0xFFFFFF40]  }
0x7c: {  	v0 =	vadd.f32 v2, v0  }
0x7d: {  	v2 =	vld [tilespmem:s23+$0xFFFFFFC0]  }
0x7e: {  	v0 =	vadd.f32 v3, v0  }
0x7f: {  	v3 =	vld [tilespmem:s23+$0x40]  }
0x80: {  	v0 =	vadd.f32 v1, v0  }
0x81: {  	v1 =	vld [tilespmem:s23+$0xC0]  }
0x82: {  	v0 =	vadd.f32 v2, v0  }
0x83: {  	v2 =	vld [tilespmem:s23+$0x140]  }
0x84: {  	v0 =	vadd.f32 v3, v0  }
0x85: {  	v3 =	vld [tilespmem:s23+$0x1C0]  }
0x86: {  	v0 =	vadd.f32 v1, v0  }
0x87: {  	v1 =	vld [tilespmem:s23+$0x240]  }
0x88: {  	v0 =	vadd.f32 v2, v0;
	_ =	sdelay $0x1  }
0x89: {  	v0 =	vadd.f32 v3, v0;
	_ =	sdelay $0x1  }
0x8a: {  	v0 =	vadd.f32 v1, v0;
	_ =	sdelay $0x1  }
0x8b: {  	[tilespmem:s22+$0xB340] =	vst v0;
	v0 =	vld [tilespmem:s22+$0xA350]  }
0x8c: {  	v1 =	vld [tilespmem:s23+$0xFFFFFDD0];
	_ =	sdelay $0x1  }
0x8d: {  	v2 =	vld [tilespmem:s23+$0xFFFFFE50];
	_ =	sdelay $0x1  }
0x8e: {  	v3 =	vld [tilespmem:s23+$0xFFFFFED0]  }
0x8f: {  	v0 =	vadd.f32 v1, v0  }
0x90: {  	v1 =	vld [tilespmem:s23+$0xFFFFFF50]  }
0x91: {  	v0 =	vadd.f32 v2, v0  }
0x92: {  	v2 =	vld [tilespmem:s23+$0xFFFFFFD0]  }
0x93: {  	v0 =	vadd.f32 v3, v0  }
0x94: {  	v3 =	vld [tilespmem:s23+$0x50]  }
0x95: {  	v0 =	vadd.f32 v1, v0  }
0x96: {  	v1 =	vld [tilespmem:s23+$0xD0]  }
0x97: {  	v0 =	vadd.f32 v2, v0  }
0x98: {  	v2 =	vld [tilespmem:s23+$0x150]  }
0x99: {  	v0 =	vadd.f32 v3, v0  }
0x9a: {  	v3 =	vld [tilespmem:s23+$0x1D0]  }
0x9b: {  	v0 =	vadd.f32 v1, v0  }
0x9c: {  	v1 =	vld [tilespmem:s23+$0x250]  }
0x9d: {  	v0 =	vadd.f32 v2, v0;
	_ =	sdelay $0x1  }
0x9e: {  	v0 =	vadd.f32 v3, v0;
	_ =	sdelay $0x1  }
0x9f: {  	v0 =	vadd.f32 v1, v0;
	_ =	sdelay $0x1  }
0xa0: {  	[tilespmem:s22+$0xB350] =	vst v0;
	v0 =	vld [tilespmem:s22+$0xA360]  }
0xa1: {  	v1 =	vld [tilespmem:s23+$0xFFFFFDE0];
	_ =	sdelay $0x1  }
0xa2: {  	v2 =	vld [tilespmem:s23+$0xFFFFFE60];
	_ =	sdelay $0x1  }
0xa3: {  	v3 =	vld [tilespmem:s23+$0xFFFFFEE0]  }
0xa4: {  	v0 =	vadd.f32 v1, v0  }
0xa5: {  	v1 =	vld [tilespmem:s23+$0xFFFFFF60]  }
0xa6: {  	v0 =	vadd.f32 v2, v0  }
0xa7: {  	v2 =	vld [tilespmem:s23+$0xFFFFFFE0]  }
0xa8: {  	v0 =	vadd.f32 v3, v0  }
0xa9: {  	v3 =	vld [tilespmem:s23+$0x60]  }
0xaa: {  	v0 =	vadd.f32 v1, v0  }
0xab: {  	v1 =	vld [tilespmem:s23+$0xE0]  }
0xac: {  	v0 =	vadd.f32 v2, v0  }
0xad: {  	v2 =	vld [tilespmem:s23+$0x160]  }
0xae: {  	v0 =	vadd.f32 v3, v0  }
0xaf: {  	v3 =	vld [tilespmem:s23+$0x1E0]  }
0xb0: {  	v0 =	vadd.f32 v1, v0  }
0xb1: {  	v1 =	vld [tilespmem:s23+$0x260]  }
0xb2: {  	v0 =	vadd.f32 v2, v0;
	_ =	sdelay $0x1  }
0xb3: {  	v0 =	vadd.f32 v3, v0;
	_ =	sdelay $0x1  }
0xb4: {  	v0 =	vadd.f32 v1, v0;
	_ =	sdelay $0x1  }
0xb5: {  	[tilespmem:s22+$0xB360] =	vst v0;
	v0 =	vld [tilespmem:s22+$0xA370]  }
0xb6: {  	v1 =	vld [tilespmem:s23+$0xFFFFFDF0];
	_ =	sdelay $0x1  }
0xb7: {  	v2 =	vld [tilespmem:s23+$0xFFFFFE70];
	_ =	sdelay $0x1  }
0xb8: {  	v3 =	vld [tilespmem:s23+$0xFFFFFEF0]  }
0xb9: {  	v0 =	vadd.f32 v1, v0  }
0xba: {  	v1 =	vld [tilespmem:s23+$0xFFFFFF70]  }
0xbb: {  	v0 =	vadd.f32 v2, v0  }
0xbc: {  	v2 =	vld [tilespmem:s23+$0xFFFFFFF0]  }
0xbd: {  	v0 =	vadd.f32 v3, v0  }
0xbe: {  	v3 =	vld [tilespmem:s23+$0x70]  }
0xbf: {  	v0 =	vadd.f32 v1, v0  }
0xc0: {  	v1 =	vld [tilespmem:s23+$0xF0]  }
0xc1: {  	v0 =	vadd.f32 v2, v0  }
0xc2: {  	v2 =	vld [tilespmem:s23+$0x170]  }
0xc3: {  	v0 =	vadd.f32 v3, v0  }
0xc4: {  	v3 =	vld [tilespmem:s23+$0x1F0]  }
0xc5: {  	v0 =	vadd.f32 v1, v0  }
0xc6: {  	v1 =	vld [tilespmem:s23+$0x270]  }
0xc7: {  	v0 =	vadd.f32 v2, v0;
	_ =	sdelay $0x1  }
0xc8: {  	v0 =	vadd.f32 v3, v0;
	_ =	sdelay $0x1  }
0xc9: {  	s24 =	simm.s32 $0x200;
	s26 =	simm.s32 $0x400;
	v0 =	vadd.f32 v1, v0  }
.LBB2_3:
0xca: {  	s28 =	sshra.s32 s24, $0x2  }
0xcb: {  	s23 =	sadd.s32 $0x500, s23;
	s24 =	smov.u32 s26;
	s25 =	sadd.s32 $0x200, s26  }
0xcc: {  	p0 =	sne.s32 s26, $0x3E00;
	v1 =	vld [tilespmem:s28+$0xA300];
	[tilespmem:s22+$0xB370] =	vst v0;
	s22 =	smov.u32 s28  }
0xcd: {  	v0 =	vld [tilespmem:s23+$0xFFFFFD80]  }
0xce: {  	v2 =	vld [tilespmem:s23+$0xFFFFFE00];
	_ =	sdelay $0x1  }
0xcf: {  	v3 =	vld [tilespmem:s23+$0xFFFFFE80];
	_ =	sdelay $0x1  }
0xd0: {  	v0 =	vadd.f32 v0, v1;
	v1 =	vld [tilespmem:s23+$0xFFFFFF00];
	_ =	sdelay $0x1  }
0xd1: {  	v0 =	vadd.f32 v2, v0;
	v2 =	vld [tilespmem:s23+$0xFFFFFF80];
	_ =	sdelay $0x1  }
0xd2: {  	v0 =	vadd.f32 v3, v0;
	v3 =	vld [tilespmem:s23+$0x0];
	_ =	sdelay $0x1  }
0xd3: {  	v0 =	vadd.f32 v1, v0;
	v1 =	vld [tilespmem:s23+$0x80];
	_ =	sdelay $0x1  }
0xd4: {  	v0 =	vadd.f32 v2, v0;
	v2 =	vld [tilespmem:s23+$0x100];
	_ =	sdelay $0x1  }
0xd5: {  	v0 =	vadd.f32 v3, v0;
	v3 =	vld [tilespmem:s23+$0x180];
	_ =	sdelay $0x1  }
0xd6: {  	v0 =	vadd.f32 v1, v0;
	v1 =	vld [tilespmem:s23+$0x200];
	_ =	sdelay $0x1  }
0xd7: {  	v0 =	vadd.f32 v2, v0;
	_ =	sdelay $0x1  }
0xd8: {  	v0 =	vadd.f32 v3, v0;
	_ =	sdelay $0x1  }
0xd9: {  	v0 =	vadd.f32 v1, v0;
	_ =	sdelay $0x1  }
0xda: {  	[tilespmem:s22+$0xB300] =	vst v0;
	v0 =	vld [tilespmem:s22+$0xA310]  }
0xdb: {  	v1 =	vld [tilespmem:s23+$0xFFFFFD90]  }
0xdc: {  	v2 =	vld [tilespmem:s23+$0xFFFFFE10];
	_ =	sdelay $0x1  }
0xdd: {  	v3 =	vld [tilespmem:s23+$0xFFFFFE90];
	_ =	sdelay $0x1  }
0xde: {  	v0 =	vadd.f32 v1, v0;
	v1 =	vld [tilespmem:s23+$0xFFFFFF10];
	_ =	sdelay $0x1  }
0xdf: {  	v0 =	vadd.f32 v2, v0;
	v2 =	vld [tilespmem:s23+$0xFFFFFF90];
	_ =	sdelay $0x1  }
0xe0: {  	v0 =	vadd.f32 v3, v0;
	v3 =	vld [tilespmem:s23+$0x10];
	_ =	sdelay $0x1  }
0xe1: {  	v0 =	vadd.f32 v1, v0;
	v1 =	vld [tilespmem:s23+$0x90];
	_ =	sdelay $0x1  }
0xe2: {  	v0 =	vadd.f32 v2, v0;
	v2 =	vld [tilespmem:s23+$0x110];
	_ =	sdelay $0x1  }
0xe3: {  	v0 =	vadd.f32 v3, v0;
	v3 =	vld [tilespmem:s23+$0x190];
	_ =	sdelay $0x1  }
0xe4: {  	v0 =	vadd.f32 v1, v0;
	v1 =	vld [tilespmem:s23+$0x210];
	_ =	sdelay $0x1  }
0xe5: {  	v0 =	vadd.f32 v2, v0;
	_ =	sdelay $0x1  }
0xe6: {  	v0 =	vadd.f32 v3, v0;
	_ =	sdelay $0x1  }
0xe7: {  	v0 =	vadd.f32 v1, v0;
	_ =	sdelay $0x1  }
0xe8: {  	[tilespmem:s22+$0xB310] =	vst v0;
	v0 =	vld [tilespmem:s22+$0xA320]  }
0xe9: {  	v1 =	vld [tilespmem:s23+$0xFFFFFDA0]  }
0xea: {  	v2 =	vld [tilespmem:s23+$0xFFFFFE20];
	_ =	sdelay $0x1  }
0xeb: {  	v3 =	vld [tilespmem:s23+$0xFFFFFEA0];
	_ =	sdelay $0x1  }
0xec: {  	v0 =	vadd.f32 v1, v0;
	v1 =	vld [tilespmem:s23+$0xFFFFFF20];
	_ =	sdelay $0x1  }
0xed: {  	v0 =	vadd.f32 v2, v0;
	v2 =	vld [tilespmem:s23+$0xFFFFFFA0];
	_ =	sdelay $0x1  }
0xee: {  	v0 =	vadd.f32 v3, v0;
	v3 =	vld [tilespmem:s23+$0x20];
	_ =	sdelay $0x1  }
0xef: {  	v0 =	vadd.f32 v1, v0;
	v1 =	vld [tilespmem:s23+$0xA0];
	_ =	sdelay $0x1  }
0xf0: {  	v0 =	vadd.f32 v2, v0;
	v2 =	vld [tilespmem:s23+$0x120];
	_ =	sdelay $0x1  }
0xf1: {  	v0 =	vadd.f32 v3, v0;
	v3 =	vld [tilespmem:s23+$0x1A0];
	_ =	sdelay $0x1  }
0xf2: {  	v0 =	vadd.f32 v1, v0;
	v1 =	vld [tilespmem:s23+$0x220];
	_ =	sdelay $0x1  }
0xf3: {  	v0 =	vadd.f32 v2, v0;
	_ =	sdelay $0x1  }
0xf4: {  	v0 =	vadd.f32 v3, v0;
	_ =	sdelay $0x1  }
0xf5: {  	v0 =	vadd.f32 v1, v0;
	_ =	sdelay $0x1  }
0xf6: {  	[tilespmem:s22+$0xB320] =	vst v0;
	v0 =	vld [tilespmem:s22+$0xA330]  }
0xf7: {  	v1 =	vld [tilespmem:s23+$0xFFFFFDB0]  }
0xf8: {  	v2 =	vld [tilespmem:s23+$0xFFFFFE30];
	_ =	sdelay $0x1  }
0xf9: {  	v3 =	vld [tilespmem:s23+$0xFFFFFEB0];
	_ =	sdelay $0x1  }
0xfa: {  	v0 =	vadd.f32 v1, v0;
	v1 =	vld [tilespmem:s23+$0xFFFFFF30];
	_ =	sdelay $0x1  }
0xfb: {  	v0 =	vadd.f32 v2, v0;
	v2 =	vld [tilespmem:s23+$0xFFFFFFB0];
	_ =	sdelay $0x1  }
0xfc: {  	v0 =	vadd.f32 v3, v0;
	v3 =	vld [tilespmem:s23+$0x30];
	_ =	sdelay $0x1  }
0xfd: {  	v0 =	vadd.f32 v1, v0;
	v1 =	vld [tilespmem:s23+$0xB0];
	_ =	sdelay $0x1  }
0xfe: {  	v0 =	vadd.f32 v2, v0;
	v2 =	vld [tilespmem:s23+$0x130];
	_ =	sdelay $0x1  }
0xff: {  	v0 =	vadd.f32 v3, v0;
	v3 =	vld [tilespmem:s23+$0x1B0];
	_ =	sdelay $0x1  }
0x100: {  	v0 =	vadd.f32 v1, v0;
	v1 =	vld [tilespmem:s23+$0x230];
	_ =	sdelay $0x1  }
0x101: {  	v0 =	vadd.f32 v2, v0;
	_ =	sdelay $0x1  }
0x102: {  	v0 =	vadd.f32 v3, v0;
	_ =	sdelay $0x1  }
0x103: {  	v0 =	vadd.f32 v1, v0;
	_ =	sdelay $0x1  }
0x104: {  	[tilespmem:s22+$0xB330] =	vst v0;
	v0 =	vld [tilespmem:s22+$0xA340]  }
0x105: {  	v1 =	vld [tilespmem:s23+$0xFFFFFDC0]  }
0x106: {  	v2 =	vld [tilespmem:s23+$0xFFFFFE40];
	_ =	sdelay $0x1  }
0x107: {  	v3 =	vld [tilespmem:s23+$0xFFFFFEC0];
	_ =	sdelay $0x1  }
0x108: {  	v0 =	vadd.f32 v1, v0;
	v1 =	vld [tilespmem:s23+$0xFFFFFF40];
	_ =	sdelay $0x1  }
0x109: {  	v0 =	vadd.f32 v2, v0;
	v2 =	vld [tilespmem:s23+$0xFFFFFFC0];
	_ =	sdelay $0x1  }
0x10a: {  	v0 =	vadd.f32 v3, v0;
	v3 =	vld [tilespmem:s23+$0x40];
	_ =	sdelay $0x1  }
0x10b: {  	v0 =	vadd.f32 v1, v0;
	v1 =	vld [tilespmem:s23+$0xC0];
	_ =	sdelay $0x1  }
0x10c: {  	v0 =	vadd.f32 v2, v0;
	v2 =	vld [tilespmem:s23+$0x140];
	_ =	sdelay $0x1  }
0x10d: {  	v0 =	vadd.f32 v3, v0;
	v3 =	vld [tilespmem:s23+$0x1C0];
	_ =	sdelay $0x1  }
0x10e: {  	v0 =	vadd.f32 v1, v0;
	v1 =	vld [tilespmem:s23+$0x240];
	_ =	sdelay $0x1  }
0x10f: {  	v0 =	vadd.f32 v2, v0;
	_ =	sdelay $0x1  }
0x110: {  	v0 =	vadd.f32 v3, v0;
	_ =	sdelay $0x1  }
0x111: {  	v0 =	vadd.f32 v1, v0;
	_ =	sdelay $0x1  }
0x112: {  	[tilespmem:s22+$0xB340] =	vst v0;
	v0 =	vld [tilespmem:s22+$0xA350]  }
0x113: {  	v1 =	vld [tilespmem:s23+$0xFFFFFDD0]  }
0x114: {  	v2 =	vld [tilespmem:s23+$0xFFFFFE50]  }
0x115: {  	v3 =	vld [tilespmem:s23+$0xFFFFFED0]  }
0x116: {  	v4 =	vld [tilespmem:s23+$0xFFFFFF50]  }
0x117: {  	v5 =	vld [tilespmem:s23+$0xFFFFFFD0]  }
0x118: {  	v0 =	vadd.f32 v1, v0;
	v1 =	vld [tilespmem:s23+$0x50]  }
0x119: {  	v6 =	vld [tilespmem:s23+$0xD0]  }
0x11a: {  	v0 =	vadd.f32 v2, v0;
	v2 =	vld [tilespmem:s23+$0x150]  }
0x11b: {  	v7 =	vld [tilespmem:s23+$0x1D0]  }
0x11c: {  	v0 =	vadd.f32 v3, v0;
	v3 =	vld [tilespmem:s23+$0x250];
	_ =	sdelay $0x1  }
0x11d: {  	v0 =	vadd.f32 v4, v0;
	_ =	sdelay $0x1  }
0x11e: {  	v0 =	vadd.f32 v5, v0;
	_ =	sdelay $0x1  }
0x11f: {  	v0 =	vadd.f32 v1, v0;
	_ =	sdelay $0x1  }
0x120: {  	v0 =	vadd.f32 v6, v0;
	_ =	sdelay $0x1  }
0x121: {  	v0 =	vadd.f32 v2, v0;
	_ =	sdelay $0x1  }
0x122: {  	v0 =	vadd.f32 v7, v0;
	_ =	sdelay $0x1  }
0x123: {  	v0 =	vadd.f32 v3, v0;
	_ =	sdelay $0x1  }
0x124: {  	[tilespmem:s22+$0xB350] =	vst v0;
	v0 =	vld [tilespmem:s22+$0xA360]  }
0x125: {  	v1 =	vld [tilespmem:s23+$0xFFFFFDE0]  }
0x126: {  	v2 =	vld [tilespmem:s23+$0xFFFFFE60]  }
0x127: {  	v3 =	vld [tilespmem:s23+$0xFFFFFEE0]  }
0x128: {  	v4 =	vld [tilespmem:s23+$0xFFFFFF60]  }
0x129: {  	v5 =	vld [tilespmem:s23+$0xFFFFFFE0]  }
0x12a: {  	v0 =	vadd.f32 v1, v0;
	v1 =	vld [tilespmem:s23+$0x60]  }
0x12b: {  	v6 =	vld [tilespmem:s23+$0xE0]  }
0x12c: {  	v0 =	vadd.f32 v2, v0;
	v2 =	vld [tilespmem:s23+$0x160]  }
0x12d: {  	v7 =	vld [tilespmem:s23+$0x1E0]  }
0x12e: {  	v0 =	vadd.f32 v3, v0;
	v3 =	vld [tilespmem:s23+$0x260];
	_ =	sdelay $0x1  }
0x12f: {  	v0 =	vadd.f32 v4, v0;
	_ =	sdelay $0x1  }
0x130: {  	v0 =	vadd.f32 v5, v0;
	_ =	sdelay $0x1  }
0x131: {  	v0 =	vadd.f32 v1, v0;
	_ =	sdelay $0x1  }
0x132: {  	v0 =	vadd.f32 v6, v0;
	_ =	sdelay $0x1  }
0x133: {  	v0 =	vadd.f32 v2, v0;
	_ =	sdelay $0x1  }
0x134: {  	v0 =	vadd.f32 v7, v0;
	_ =	sdelay $0x1  }
0x135: {  	v0 =	vadd.f32 v3, v0;
	_ =	sdelay $0x1  }
0x136: {  	[tilespmem:s22+$0xB360] =	vst v0;
	v0 =	vld [tilespmem:s22+$0xA370]  }
0x137: {  	v1 =	vld [tilespmem:s23+$0xFFFFFDF0]  }
0x138: {  	v2 =	vld [tilespmem:s23+$0xFFFFFE70]  }
0x139: {  	v3 =	vld [tilespmem:s23+$0xFFFFFEF0]  }
0x13a: {  	v4 =	vld [tilespmem:s23+$0xFFFFFF70]  }
0x13b: {  	v5 =	vld [tilespmem:s23+$0xFFFFFFF0]  }
0x13c: {  	v0 =	vadd.f32 v1, v0;
	v1 =	vld [tilespmem:s23+$0x70]  }
0x13d: {  	v6 =	vld [tilespmem:s23+$0xF0]  }
0x13e: {  	v0 =	vadd.f32 v2, v0;
	v2 =	vld [tilespmem:s23+$0x170]  }
0x13f: {  	v7 =	vld [tilespmem:s23+$0x1F0]  }
0x140: {  	v0 =	vadd.f32 v3, v0;
	v3 =	vld [tilespmem:s23+$0x270];
	_ =	sdelay $0x1  }
0x141: {  	v0 =	vadd.f32 v4, v0;
	_ =	sdelay $0x1  }
0x142: {  	v0 =	vadd.f32 v5, v0;
	_ =	sdelay $0x1  }
0x143: {  	v0 =	vadd.f32 v1, v0;
	_ =	sdelay $0x1  }
0x144: {  	v0 =	vadd.f32 v6, v0;
	_ =	sdelay $0x1  }
.Ltmp0:
0x145: {  	v0 =	vadd.f32 v2, v0;
	(pc) =	sbr.rel @p0 .LBB2_3-.Ltmp0, $3  }
0x146: {  	_ = 	snop  }
0x147: {  	v0 =	vadd.f32 v7, v0;
	_ =	sdelay $0x1  }
0x148: {  	s26 =	smov.u32 s25;
	v0 =	vadd.f32 v3, v0  }
0x149: {  	s24 =	sshra.s32 s24, $0x2  }
0x14a: {  	s23 =	sadd.s32 $0x500, s23;
	v1 =	vld [tilespmem:s24+$0xA300];
	[tilespmem:s22+$0xB370] =	vst v0  }
0x14b: {  	v0 =	vld [tilespmem:s23+$0xFFFFFD80];
	_ =	sdelay $0x1  }
0x14c: {  	v2 =	vld [tilespmem:s23+$0xFFFFFE00];
	_ =	sdelay $0x1  }
0x14d: {  	v3 =	vld [tilespmem:s23+$0xFFFFFE80]  }
0x14e: {  	v0 =	vadd.f32 v0, v1  }
0x14f: {  	v38 =	vld [tilespmem:s23+$0xFFFFFF00]  }
0x150: {  	v0 =	vadd.f32 v2, v0  }
0x151: {  	v39 =	vld [tilespmem:s23+$0xFFFFFF80]  }
0x152: {  	v0 =	vadd.f32 v3, v0  }
0x153: {  	v40 =	vld [tilespmem:s23+$0x0]  }
0x154: {  	v0 =	vadd.f32 v38, v0  }
0x155: {  	v41 =	vld [tilespmem:s23+$0x80]  }
0x156: {  	v0 =	vadd.f32 v39, v0  }
0x157: {  	v42 =	vld [tilespmem:s23+$0x100]  }
0x158: {  	v0 =	vadd.f32 v40, v0  }
0x159: {  	v43 =	vld [tilespmem:s23+$0x180]  }
0x15a: {  	v0 =	vadd.f32 v41, v0  }
0x15b: {  	v44 =	vld [tilespmem:s23+$0x200]  }
0x15c: {  	v0 =	vadd.f32 v42, v0;
	_ =	sdelay $0x1  }
0x15d: {  	v0 =	vadd.f32 v43, v0;
	_ =	sdelay $0x1  }
0x15e: {  	v0 =	vadd.f32 v44, v0;
	_ =	sdelay $0x1  }
0x15f: {  	v45 =	vld [tilespmem:s24+$0xA310];
	[tilespmem:s24+$0xB300] =	vst v0  }
0x160: {  	v46 =	vld [tilespmem:s23+$0xFFFFFD90];
	_ =	sdelay $0x1  }
0x161: {  	v47 =	vld [tilespmem:s23+$0xFFFFFE10];
	_ =	sdelay $0x1  }
0x162: {  	v48 =	vld [tilespmem:s23+$0xFFFFFE90]  }
0x163: {  	v0 =	vadd.f32 v46, v45  }
0x164: {  	v49 =	vld [tilespmem:s23+$0xFFFFFF10]  }
0x165: {  	v0 =	vadd.f32 v47, v0  }
0x166: {  	v50 =	vld [tilespmem:s23+$0xFFFFFF90]  }
0x167: {  	v0 =	vadd.f32 v48, v0  }
0x168: {  	v51 =	vld [tilespmem:s23+$0x10]  }
0x169: {  	v0 =	vadd.f32 v49, v0  }
0x16a: {  	v52 =	vld [tilespmem:s23+$0x90]  }
0x16b: {  	v0 =	vadd.f32 v50, v0  }
0x16c: {  	v53 =	vld [tilespmem:s23+$0x110]  }
0x16d: {  	v0 =	vadd.f32 v51, v0  }
0x16e: {  	v54 =	vld [tilespmem:s23+$0x190]  }
0x16f: {  	v0 =	vadd.f32 v52, v0  }
0x170: {  	v55 =	vld [tilespmem:s23+$0x210]  }
0x171: {  	v0 =	vadd.f32 v53, v0;
	_ =	sdelay $0x1  }
0x172: {  	v0 =	vadd.f32 v54, v0;
	_ =	sdelay $0x1  }
0x173: {  	v0 =	vadd.f32 v55, v0;
	_ =	sdelay $0x1  }
0x174: {  	v56 =	vld [tilespmem:s24+$0xA320];
	[tilespmem:s24+$0xB310] =	vst v0  }
0x175: {  	v57 =	vld [tilespmem:s23+$0xFFFFFDA0];
	_ =	sdelay $0x1  }
0x176: {  	v58 =	vld [tilespmem:s23+$0xFFFFFE20];
	_ =	sdelay $0x1  }
0x177: {  	v59 =	vld [tilespmem:s23+$0xFFFFFEA0]  }
0x178: {  	v0 =	vadd.f32 v57, v56  }
0x179: {  	v60 =	vld [tilespmem:s23+$0xFFFFFF20]  }
0x17a: {  	v0 =	vadd.f32 v58, v0  }
0x17b: {  	v61 =	vld [tilespmem:s23+$0xFFFFFFA0]  }
0x17c: {  	v0 =	vadd.f32 v59, v0  }
0x17d: {  	v62 =	vld [tilespmem:s23+$0x20]  }
0x17e: {  	v0 =	vadd.f32 v60, v0  }
0x17f: {  	v63 =	vld [tilespmem:s23+$0xA0]  }
0x180: {  	v0 =	vadd.f32 v61, v0  }
0x181: {  	v6 =	vld [tilespmem:s23+$0x120]  }
0x182: {  	v0 =	vadd.f32 v62, v0  }
0x183: {  	v7 =	vld [tilespmem:s23+$0x1A0]  }
0x184: {  	v0 =	vadd.f32 v63, v0  }
0x185: {  	v8 =	vld [tilespmem:s23+$0x220]  }
0x186: {  	v0 =	vadd.f32 v6, v0;
	_ =	sdelay $0x1  }
0x187: {  	v0 =	vadd.f32 v7, v0;
	_ =	sdelay $0x1  }
0x188: {  	v0 =	vadd.f32 v8, v0;
	_ =	sdelay $0x1  }
0x189: {  	v9 =	vld [tilespmem:s24+$0xA330];
	[tilespmem:s24+$0xB320] =	vst v0  }
0x18a: {  	v10 =	vld [tilespmem:s23+$0xFFFFFDB0];
	_ =	sdelay $0x1  }
0x18b: {  	v11 =	vld [tilespmem:s23+$0xFFFFFE30];
	_ =	sdelay $0x1  }
0x18c: {  	v12 =	vld [tilespmem:s23+$0xFFFFFEB0]  }
0x18d: {  	v0 =	vadd.f32 v10, v9  }
0x18e: {  	v13 =	vld [tilespmem:s23+$0xFFFFFF30]  }
0x18f: {  	v0 =	vadd.f32 v11, v0  }
0x190: {  	v14 =	vld [tilespmem:s23+$0xFFFFFFB0]  }
0x191: {  	v0 =	vadd.f32 v12, v0  }
0x192: {  	v15 =	vld [tilespmem:s23+$0x30]  }
0x193: {  	v0 =	vadd.f32 v13, v0  }
0x194: {  	v16 =	vld [tilespmem:s23+$0xB0]  }
0x195: {  	v0 =	vadd.f32 v14, v0  }
0x196: {  	v17 =	vld [tilespmem:s23+$0x130]  }
0x197: {  	v0 =	vadd.f32 v15, v0  }
0x198: {  	v18 =	vld [tilespmem:s23+$0x1B0]  }
0x199: {  	v0 =	vadd.f32 v16, v0  }
0x19a: {  	v19 =	vld [tilespmem:s23+$0x230]  }
0x19b: {  	v0 =	vadd.f32 v17, v0;
	_ =	sdelay $0x1  }
0x19c: {  	v0 =	vadd.f32 v18, v0;
	_ =	sdelay $0x1  }
0x19d: {  	v0 =	vadd.f32 v19, v0;
	_ =	sdelay $0x1  }
0x19e: {  	v20 =	vld [tilespmem:s24+$0xA340];
	[tilespmem:s24+$0xB330] =	vst v0  }
0x19f: {  	v21 =	vld [tilespmem:s23+$0xFFFFFDC0];
	_ =	sdelay $0x1  }
0x1a0: {  	v22 =	vld [tilespmem:s23+$0xFFFFFE40];
	_ =	sdelay $0x1  }
0x1a1: {  	v23 =	vld [tilespmem:s23+$0xFFFFFEC0]  }
0x1a2: {  	v0 =	vadd.f32 v21, v20  }
0x1a3: {  	v24 =	vld [tilespmem:s23+$0xFFFFFF40]  }
0x1a4: {  	v0 =	vadd.f32 v22, v0  }
0x1a5: {  	v25 =	vld [tilespmem:s23+$0xFFFFFFC0]  }
0x1a6: {  	v0 =	vadd.f32 v23, v0  }
0x1a7: {  	v26 =	vld [tilespmem:s23+$0x40]  }
0x1a8: {  	v0 =	vadd.f32 v24, v0  }
0x1a9: {  	v27 =	vld [tilespmem:s23+$0xC0]  }
0x1aa: {  	v0 =	vadd.f32 v25, v0  }
0x1ab: {  	v28 =	vld [tilespmem:s23+$0x140]  }
0x1ac: {  	v0 =	vadd.f32 v26, v0  }
0x1ad: {  	v29 =	vld [tilespmem:s23+$0x1C0]  }
0x1ae: {  	v0 =	vadd.f32 v27, v0  }
0x1af: {  	v30 =	vld [tilespmem:s23+$0x240]  }
0x1b0: {  	v0 =	vadd.f32 v28, v0;
	_ =	sdelay $0x1  }
0x1b1: {  	v0 =	vadd.f32 v29, v0;
	_ =	sdelay $0x1  }
0x1b2: {  	v0 =	vadd.f32 v30, v0;
	_ =	sdelay $0x1  }
0x1b3: {  	v31 =	vld [tilespmem:s24+$0xA350];
	[tilespmem:s24+$0xB340] =	vst v0  }
0x1b4: {  	v32 =	vld [tilespmem:s23+$0xFFFFFDD0];
	_ =	sdelay $0x1  }
0x1b5: {  	v33 =	vld [tilespmem:s23+$0xFFFFFE50];
	_ =	sdelay $0x1  }
0x1b6: {  	v34 =	vld [tilespmem:s23+$0xFFFFFED0]  }
0x1b7: {  	v0 =	vadd.f32 v32, v31  }
0x1b8: {  	v35 =	vld [tilespmem:s23+$0xFFFFFF50]  }
0x1b9: {  	v0 =	vadd.f32 v33, v0  }
0x1ba: {  	v36 =	vld [tilespmem:s23+$0xFFFFFFD0]  }
0x1bb: {  	v0 =	vadd.f32 v34, v0  }
0x1bc: {  	v37 =	vld [tilespmem:s23+$0x50]  }
0x1bd: {  	v0 =	vadd.f32 v35, v0  }
0x1be: {  	v38 =	vld [tilespmem:s23+$0xD0]  }
0x1bf: {  	v0 =	vadd.f32 v36, v0  }
0x1c0: {  	v39 =	vld [tilespmem:s23+$0x150]  }
0x1c1: {  	v0 =	vadd.f32 v37, v0  }
0x1c2: {  	v40 =	vld [tilespmem:s23+$0x1D0]  }
0x1c3: {  	v0 =	vadd.f32 v38, v0  }
0x1c4: {  	v41 =	vld [tilespmem:s23+$0x250]  }
0x1c5: {  	v0 =	vadd.f32 v39, v0;
	_ =	sdelay $0x1  }
0x1c6: {  	v0 =	vadd.f32 v40, v0;
	_ =	sdelay $0x1  }
0x1c7: {  	v0 =	vadd.f32 v41, v0;
	_ =	sdelay $0x1  }
0x1c8: {  	v42 =	vld [tilespmem:s24+$0xA360];
	[tilespmem:s24+$0xB350] =	vst v0  }
0x1c9: {  	v43 =	vld [tilespmem:s23+$0xFFFFFDE0];
	_ =	sdelay $0x1  }
0x1ca: {  	v44 =	vld [tilespmem:s23+$0xFFFFFE60];
	_ =	sdelay $0x1  }
0x1cb: {  	v45 =	vld [tilespmem:s23+$0xFFFFFEE0]  }
0x1cc: {  	v0 =	vadd.f32 v43, v42  }
0x1cd: {  	v46 =	vld [tilespmem:s23+$0xFFFFFF60]  }
0x1ce: {  	v0 =	vadd.f32 v44, v0  }
0x1cf: {  	v47 =	vld [tilespmem:s23+$0xFFFFFFE0]  }
0x1d0: {  	v0 =	vadd.f32 v45, v0  }
0x1d1: {  	v48 =	vld [tilespmem:s23+$0x60]  }
0x1d2: {  	v0 =	vadd.f32 v46, v0  }
0x1d3: {  	v49 =	vld [tilespmem:s23+$0xE0]  }
0x1d4: {  	v0 =	vadd.f32 v47, v0  }
0x1d5: {  	v50 =	vld [tilespmem:s23+$0x160]  }
0x1d6: {  	v0 =	vadd.f32 v48, v0  }
0x1d7: {  	v51 =	vld [tilespmem:s23+$0x1E0]  }
0x1d8: {  	v0 =	vadd.f32 v49, v0  }
0x1d9: {  	v52 =	vld [tilespmem:s23+$0x260]  }
0x1da: {  	v0 =	vadd.f32 v50, v0;
	_ =	sdelay $0x1  }
0x1db: {  	v0 =	vadd.f32 v51, v0;
	_ =	sdelay $0x1  }
0x1dc: {  	v0 =	vadd.f32 v52, v0;
	_ =	sdelay $0x1  }
0x1dd: {  	v53 =	vld [tilespmem:s24+$0xA370];
	[tilespmem:s24+$0xB360] =	vst v0  }
0x1de: {  	v54 =	vld [tilespmem:s23+$0xFFFFFDF0];
	_ =	sdelay $0x1  }
0x1df: {  	v55 =	vld [tilespmem:s23+$0xFFFFFE70];
	_ =	sdelay $0x1  }
0x1e0: {  	v56 =	vld [tilespmem:s23+$0xFFFFFEF0]  }
0x1e1: {  	v0 =	vadd.f32 v54, v53  }
0x1e2: {  	v57 =	vld [tilespmem:s23+$0xFFFFFF70]  }
0x1e3: {  	v0 =	vadd.f32 v55, v0  }
0x1e4: {  	v58 =	vld [tilespmem:s23+$0xFFFFFFF0]  }
0x1e5: {  	v0 =	vadd.f32 v56, v0  }
0x1e6: {  	v59 =	vld [tilespmem:s23+$0x70]  }
0x1e7: {  	v0 =	vadd.f32 v57, v0  }
0x1e8: {  	v60 =	vld [tilespmem:s23+$0xF0]  }
0x1e9: {  	v0 =	vadd.f32 v58, v0  }
0x1ea: {  	v61 =	vld [tilespmem:s23+$0x170]  }
0x1eb: {  	v0 =	vadd.f32 v59, v0  }
0x1ec: {  	v62 =	vld [tilespmem:s23+$0x1F0]  }
0x1ed: {  	v0 =	vadd.f32 v60, v0  }
0x1ee: {  	v63 =	vld [tilespmem:s23+$0x270]  }
0x1ef: {  	v0 =	vadd.f32 v61, v0;
	_ =	sdelay $0x1  }
0x1f0: {  	v0 =	vadd.f32 v62, v0;
	_ =	sdelay $0x1  }
0x1f1: {  	s20 =	sadd.s32 $0x1, s20;
	v0 =	vadd.f32 v63, v0  }
0x1f2: {  	s21 =	sshll.u32 s21, $0x9;
	p0 =	sne.s32 s20, $0x10  }
.Ltmp1:
0x1f3: {  	s21 =	sadd.s32 s8, s21;
	[tilespmem:s24+$0xB370] =	vst v0;
	(pc) =	sbr.rel @p0 .LBB2_2-.Ltmp1, $4  }
0x1f4: {  	[hbm4b:s21+s2] =	stream.linear.scatter [tilespmem:s18], [sflag:$0x2], $0x1000, $0x38;
	[tilespmem:$0xC300] =	vst v63  }
0x1f5: {  	_ =	swait.ge [sflag:s12], $0x1000  }
0x1f6: {  	[sflag:s12] =	ssyncset.done $0x0  }
0x1f7: {  	[sflag:s12] =	ssyncadd.s32 $0xFFFFF000  }
0x1f8: {  	s19 =	sadd.s32 $0x1, s19  }
0x1f9: {  	p0 =	sne.s32 s19, s10  }
.Ltmp2:
0x1fa: {  	_ = 	snop;
	(pc) =	sbr.rel @p0 .LBB2_1-.Ltmp2, $1  }
0x1fb: {  	_ =	sdelay $0x3  }
0x1fc: {  	_ =	sfence.sel $0x180000  }
0x1fd: {  	[bflag:$0x0] =	sbarrier.arrive $0xFFFF  }
0x1fe: {  	p0 =	sne.s32 s4, $0x0;
	_ =	strace $0x9000004A  }
0x1ff: {  	s0 =	sadd.s32 @!p0 $0x100000, s0;
	[bflag:$0x2] =	sbarrier.arrive $0xFFFF  }
0x200: {  	[sflag:s0] =	ssyncadd.tile.s32 @!p0 $0x1;
	_ =	shalt  }
.Lfunc_end2:
_tile_overlayer_lowered:
.L_overlay_start_2:
0x201: {  	(tag) =	ssettag $0x2  }
0x202: {  	s0 =	rddreg [dreg:$0x0];
	s2 =	stileid.u32  }
0x203: {  	s1 =	rddreg [dreg:$0x1];
	p0 =	sne.s32 s2, $0x0  }
0x204: {  	s3 =	rddreg [dreg:$0x2];
	[bflag:$0x3] =	sbarrier.arrive $0xFFFF;
	s2 =	simm.s32 @!p0 $0x1C02  }
0x205: {  	[timem:s3], [sflag:s2] =	dma.local @!p0 [hbm:s0], s1  }
0x206: {  	s0 =	simm.s32 @!p0 $0x2  }
0x207: {  	_ =	swait.ge @!p0 [sflag:s0], s1  }
0x208: {  	s1 =	ssub.s32 @!p0 $0x0, s1;
	[sflag:s0] =	ssyncset.done @!p0 $0x0  }
0x209: {  	[sflag:s0] =	ssyncadd.s32 @!p0 s1  }
0x20a: {  	[bflag:$0x3] =	sbarrier.arrive $0xFFFF  }
0x20b: {  	_ =	shalt  }

</sc_bundles>
